<compile_context>
chip_gen: v7x
topology: tpu7x:2x2x1
jax: 0.10.2.dev20260603
libtpu: 0.0.44.dev20260713+nightly
codegen_flags: <defaults>
</compile_context>

<pallas_src>
import jax
import jax.numpy as jnp
from jax import lax
from jax.experimental import pallas as pl
from jax.experimental.pallas import tpu as pltpu

_N = 20000
_K = 2000
_KP = 2048
_T = 128
_NT = _KP // _T
_TN = 512
_SCORE_THRESH = 0.05
_NMS_THRESH = 0.5
_DET = 100
_NEG = -1e9

def _nms_body(ts_ref, tb_ref, tbt_ref, out_ref, kscr_ref):
    f32 = jnp.float32
    tb = tb_ref[...]
    tbt = tbt_ref[...]
    x1c = tb[:, 0:1]
    y1c = tb[:, 1:2]
    x2c = tb[:, 2:3]
    y2c = tb[:, 3:4]
    x1r = tbt[0:1, :]
    y1r = tbt[1:2, :]
    x2r = tbt[2:3, :]
    y2r = tbt[3:4, :]
    ts = ts_ref[...]
    area_r = (x2r - x1r) * (y2r - y1r)
    area_c = (x2c - x1c) * (y2c - y1c)

    rows_tt = lax.broadcasted_iota(jnp.int32, (_T, _T), 0)
    cols_tt = lax.broadcasted_iota(jnp.int32, (_T, _T), 1)
    rows_nn = lax.broadcasted_iota(jnp.int32, (_TN, _TN), 0)
    cols_nn = lax.broadcasted_iota(jnp.int32, (_TN, _TN), 1)
    upper_f = (rows_nn < cols_nn).astype(f32)

    sup = jnp.zeros((1, _KP), jnp.bool_)
    keep_tiles = []
    for t in range(_KP // _TN):
        s = t * _TN
        tx1 = x1c[s:s + _TN]
        ty1 = y1c[s:s + _TN]
        tx2 = x2c[s:s + _TN]
        ty2 = y2c[s:s + _TN]
        ta = area_c[s:s + _TN]
        iw = jnp.clip(jnp.minimum(tx2, x2r[:, s:]) - jnp.maximum(tx1, x1r[:, s:]), 0.0)
        ih = jnp.clip(jnp.minimum(ty2, y2r[:, s:]) - jnp.maximum(ty1, y1r[:, s:]), 0.0)
        inter = iw * ih
        union = (ta + area_r[:, s:]) - inter + 1e-9
        mf = (inter > _NMS_THRESH * union).astype(f32)
        mtt = mf[:, :_TN] * upper_f
        sup_t = sup[:, s:s + _TN]
        availf = jnp.where(sup_t, 0.0, 1.0)
        kscr_ref[...] = availf

        def fbody(_, mtt=mtt, availf=availf):
            k = kscr_ref[...]
            s1 = jnp.dot(k, mtt, preferred_element_type=f32)
            k1 = availf * jnp.where(s1 < 0.5, 1.0, 0.0)
            s2 = jnp.dot(k1, mtt, preferred_element_type=f32)
            k2 = availf * jnp.where(s2 < 0.5, 1.0, 0.0)
            kscr_ref[...] = k2
            return jnp.any(k2 != k1)

        lax.while_loop(lambda c: c, fbody, jnp.bool_(True))
        kfin = kscr_ref[...] > 0.5
        keep_tiles.append(kfin)
        supnew = jnp.dot(kfin.astype(f32), mf, preferred_element_type=f32) > 0.5
        tail = sup[:, s:] | supnew
        sup = tail if s == 0 else jnp.concatenate([sup[:, :s], tail], axis=1)
    keep = jnp.concatenate(keep_tiles, axis=1)

    idx = lax.broadcasted_iota(jnp.int32, (1, _KP), 1)
    real = idx < _K
    kept_valid = keep & (ts > _NEG) & real
    other_real = real & jnp.logical_not(kept_valid)
    value = jnp.where(kept_valid, ts, _NEG)
    af = kept_valid.astype(f32)
    bf = other_real.astype(f32)
    n_a = jnp.sum(af)
    linc = (rows_tt <= cols_tt).astype(f32)
    rowr = lax.broadcasted_iota(jnp.int32, (_T, 1), 0).astype(f32)
    vb = tb

    out = jnp.zeros((_T, 8), f32)
    out_s = jnp.zeros((_T, 1), f32)
    off_a = jnp.float32(0.0)
    off_b = jnp.float32(0.0)
    for c in range(_NT):
        s = c * _T
        a_c = af[:, s:s + _T]
        b_c = bf[:, s:s + _T]
        cum_a = jnp.dot(a_c, linc, preferred_element_type=f32) + off_a
        cum_b = jnp.dot(b_c, linc, preferred_element_type=f32) + off_b
        rank = jnp.where(kept_valid[:, s:s + _T], cum_a - 1.0, n_a + cum_b - 1.0)
        rank = jnp.where(real[:, s:s + _T], rank, 1e6)
        sel = rank == rowr
        out = out + jnp.dot(sel.astype(f32), vb[s:s + _T, :], preferred_element_type=f32)
        out_s = out_s + jnp.sum(jnp.where(sel, value[:, s:s + _T], 0.0),
                                axis=1, keepdims=True)
        off_a = off_a + jnp.sum(a_c)
        off_b = off_b + jnp.sum(b_c)

    colid = lax.broadcasted_iota(jnp.int32, (_T, 8), 1)
    out_ref[...] = jnp.where(colid == 4, jnp.broadcast_to(out_s, (_T, 8)), out)


def kernel(boxes, scores):
    f32 = jnp.float32
    masked = jnp.where(scores > _SCORE_THRESH, scores, _NEG)
    ts, ti = lax.top_k(masked, _K)
    tb = jnp.take(boxes, ti, axis=0)
    pad = _KP - _K
    ts_p = jnp.concatenate([ts, jnp.full((pad,), _NEG, f32)]).reshape(1, _KP)
    tb_p = lax.dynamic_update_slice(jnp.zeros((_KP, 8), f32), tb, (0, 0))
    out8 = pl.pallas_call(
        _nms_body,
        out_shape=jax.ShapeDtypeStruct((_T, 8), f32),
        scratch_shapes=[pltpu.VMEM((1, _TN), f32)],
    )(ts_p, tb_p, tb_p.T)
    return out8[:_DET, :5]

# --- scband reference (transcript-rebuilt; emitter-appended) ---
"""Pipeline reference for scband-ro-iheads-87557203296330 (READ-ONLY COPY).

The authoritative reference and input builder live on the scoring server;
editing this copy changes nothing except your own understanding.
"""

import jax, jax.numpy as jnp
import numpy as np

N = 20000
PRE_NMS_TOPK = 2000
SCORE_THRESH = 0.05
NMS_THRESH = 0.5
DETECTIONS_PER_IMG = 100


def _box_iou(a, b):
    area_a = (a[:, 2] - a[:, 0]) * (a[:, 3] - a[:, 1])
    area_b = (b[:, 2] - b[:, 0]) * (b[:, 3] - b[:, 1])
    lt = jnp.maximum(a[:, None, :2], b[None, :, :2])
    rb = jnp.minimum(a[:, None, 2:], b[None, :, 2:])
    wh = jnp.clip(rb - lt, 0.0)
    inter = wh[..., 0] * wh[..., 1]
    return inter / (area_a[:, None] + area_b[None, :] - inter + 1e-9)


def setup_inputs(seed: int = 0) -> dict:
    key = jax.random.key(seed)
    k1, k2, k3 = jax.random.split(key, 3)
    cxy = jax.random.uniform(k1, (N, 2), minval=0.0, maxval=1024.0)
    wh = jax.random.uniform(k2, (N, 2), minval=8.0, maxval=256.0)
    boxes = jnp.concatenate([cxy - wh / 2.0, cxy + wh / 2.0], axis=1).astype(jnp.float32)
    scores = jax.random.uniform(k3, (N,), dtype=jnp.float32)
    return {"boxes": boxes, "scores": scores}


def reference(boxes, scores):
    # RoIHeads.postprocess_detections-style path for one image/class:
    # score threshold -> pre-NMS top-k -> greedy NMS -> keep detections_per_img.
    valid = scores > SCORE_THRESH
    masked = jnp.where(valid, scores, -1e9)
    top_scores, top_idx = jax.lax.top_k(masked, PRE_NMS_TOPK)
    top_boxes = jnp.take(boxes, top_idx, axis=0)
    iou = jax.lax.stop_gradient(_box_iou(top_boxes, top_boxes))
    K = PRE_NMS_TOPK
    ar = jnp.arange(K)

    def body(i, state):
        keep, suppressed = state
        active = jnp.logical_not(suppressed[i])
        keep = keep.at[i].set(active)
        sup = (iou[i] > NMS_THRESH) & (ar > i) & active
        return (keep, suppressed | sup)

    keep, _ = jax.lax.fori_loop(
        0, K, body, (jnp.zeros((K,), jnp.bool_), jnp.zeros((K,), jnp.bool_))
    )
    final_masked = jnp.where(keep, top_scores, -1e9)
    fs, fi = jax.lax.top_k(final_masked, DETECTIONS_PER_IMG)
    fb = jnp.take(top_boxes, fi, axis=0)
    out = jnp.concatenate([fb, fs[:, None]], axis=1)  # [100, 5] = boxes + score
    return out

if __name__ == "__main__":
    import jax
    _d = setup_inputs()
    print(jax.jit(kernel)(*tuple(_d.values())))

</pallas_src>

<mosaic_0001>
module attributes {stable_mosaic.version = 14 : i64} {
  func.func @_nms_body(%arg0: memref<1x2048xf32, #tpu.memory_space<vmem>>, %arg1: memref<2048x8xf32, #tpu.memory_space<vmem>>, %arg2: memref<8x2048xf32, #tpu.memory_space<vmem>>, %arg3: memref<128x8xf32, #tpu.memory_space<vmem>>, %arg4: memref<1x512xf32, #tpu.memory_space<vmem>>) attributes {dimension_semantics = [], scalar_prefetch = 0 : i64, scratch_operands = 1 : i64, tpu.core_type = #tpu.core_type<tc>} {
    %get3A = arith.constant 0 : index
    %get3A_0 = arith.constant 0 : index
    %get3A_1 = vector.load %arg1[%get3A, %get3A_0] : memref<2048x8xf32, #tpu.memory_space<vmem>>, vector<2048x8xf32>
    %get3A_2 = arith.constant 0 : index
    %get3A_3 = arith.constant 0 : index
    %get3A_4 = vector.load %arg2[%get3A_2, %get3A_3] : memref<8x2048xf32, #tpu.memory_space<vmem>>, vector<8x2048xf32>
    %slice3A = vector.extract_strided_slice %get3A_1 {offsets = [0, 0], sizes = [2048, 1], strides = [1, 1]} : vector<2048x8xf32> to vector<2048x1xf32>
    %slice3A_5 = vector.extract_strided_slice %get3A_1 {offsets = [0, 1], sizes = [2048, 1], strides = [1, 1]} : vector<2048x8xf32> to vector<2048x1xf32>
    %slice3A_6 = vector.extract_strided_slice %get3A_1 {offsets = [0, 2], sizes = [2048, 1], strides = [1, 1]} : vector<2048x8xf32> to vector<2048x1xf32>
    %slice3A_7 = vector.extract_strided_slice %get3A_1 {offsets = [0, 3], sizes = [2048, 1], strides = [1, 1]} : vector<2048x8xf32> to vector<2048x1xf32>
    %slice3A_8 = vector.extract_strided_slice %get3A_4 {offsets = [0, 0], sizes = [1, 2048], strides = [1, 1]} : vector<8x2048xf32> to vector<1x2048xf32>
    %slice3A_9 = vector.extract_strided_slice %get3A_4 {offsets = [1, 0], sizes = [1, 2048], strides = [1, 1]} : vector<8x2048xf32> to vector<1x2048xf32>
    %slice3A_10 = vector.extract_strided_slice %get3A_4 {offsets = [2, 0], sizes = [1, 2048], strides = [1, 1]} : vector<8x2048xf32> to vector<1x2048xf32>
    %slice3A_11 = vector.extract_strided_slice %get3A_4 {offsets = [3, 0], sizes = [1, 2048], strides = [1, 1]} : vector<8x2048xf32> to vector<1x2048xf32>
    %get3A_12 = arith.constant 0 : index
    %get3A_13 = arith.constant 0 : index
    %get3A_14 = vector.load %arg0[%get3A_12, %get3A_13] : memref<1x2048xf32, #tpu.memory_space<vmem>>, vector<1x2048xf32>
    %sub3A = arith.subf %slice3A_10, %slice3A_8 : vector<1x2048xf32>
    %sub3A_15 = arith.subf %slice3A_11, %slice3A_9 : vector<1x2048xf32>
    %mul3A = arith.mulf %sub3A, %sub3A_15 : vector<1x2048xf32>
    %sub3A_16 = arith.subf %slice3A_6, %slice3A : vector<2048x1xf32>
    %sub3A_17 = arith.subf %slice3A_7, %slice3A_5 : vector<2048x1xf32>
    %mul3A_18 = arith.mulf %sub3A_16, %sub3A_17 : vector<2048x1xf32>
    %iota3A = tpu.iota {dimensions = array<i32: 0>} : vector<128x128xi32>
    %iota3A_19 = tpu.iota {dimensions = array<i32: 1>} : vector<128x128xi32>
    %iota3A_20 = tpu.iota {dimensions = array<i32: 0>} : vector<512x512xi32>
    %iota3A_21 = tpu.iota {dimensions = array<i32: 1>} : vector<512x512xi32>
    %lt3A = arith.cmpi slt, %iota3A_20, %iota3A_21 : vector<512x512xi32>
    %convert_element_type3A = arith.extui %lt3A : vector<512x512xi1> to vector<512x512xi32>
    %convert_element_type3A_22 = arith.sitofp %convert_element_type3A : vector<512x512xi32> to vector<512x512xf32>
    %broadcast_in_dim3A = arith.constant false
    %broadcast_in_dim3A_23 = vector.broadcast %broadcast_in_dim3A : i1 to vector<1x2048xi1>
    %slice3A_24 = vector.extract_strided_slice %slice3A {offsets = [0, 0], sizes = [512, 1], strides = [1, 1]} : vector<2048x1xf32> to vector<512x1xf32>
    %slice3A_25 = vector.extract_strided_slice %slice3A_5 {offsets = [0, 0], sizes = [512, 1], strides = [1, 1]} : vector<2048x1xf32> to vector<512x1xf32>
    %slice3A_26 = vector.extract_strided_slice %slice3A_6 {offsets = [0, 0], sizes = [512, 1], strides = [1, 1]} : vector<2048x1xf32> to vector<512x1xf32>
    %slice3A_27 = vector.extract_strided_slice %slice3A_7 {offsets = [0, 0], sizes = [512, 1], strides = [1, 1]} : vector<2048x1xf32> to vector<512x1xf32>
    %slice3A_28 = vector.extract_strided_slice %mul3A_18 {offsets = [0, 0], sizes = [512, 1], strides = [1, 1]} : vector<2048x1xf32> to vector<512x1xf32>
    %min3A = vector.broadcast %slice3A_26 : vector<512x1xf32> to vector<512x2048xf32>
    %min3A_29 = vector.broadcast %slice3A_10 : vector<1x2048xf32> to vector<512x2048xf32>
    %min3A_30 = arith.minimumf %min3A, %min3A_29 : vector<512x2048xf32>
    %max3A = vector.broadcast %slice3A_24 : vector<512x1xf32> to vector<512x2048xf32>
    %max3A_31 = vector.broadcast %slice3A_8 : vector<1x2048xf32> to vector<512x2048xf32>
    %max3A_32 = arith.maximumf %max3A, %max3A_31 : vector<512x2048xf32>
    %sub3A_33 = arith.subf %min3A_30, %max3A_32 : vector<512x2048xf32>
    %jit3A = arith.constant 0.000000e+00 : f32
    %max3A_34 = vector.broadcast %jit3A : f32 to vector<512x2048xf32>
    %max3A_35 = arith.maximumf %max3A_34, %sub3A_33 : vector<512x2048xf32>
    %min3A_36 = vector.broadcast %slice3A_27 : vector<512x1xf32> to vector<512x2048xf32>
    %min3A_37 = vector.broadcast %slice3A_11 : vector<1x2048xf32> to vector<512x2048xf32>
    %min3A_38 = arith.minimumf %min3A_36, %min3A_37 : vector<512x2048xf32>
    %max3A_39 = vector.broadcast %slice3A_25 : vector<512x1xf32> to vector<512x2048xf32>
    %max3A_40 = vector.broadcast %slice3A_9 : vector<1x2048xf32> to vector<512x2048xf32>
    %max3A_41 = arith.maximumf %max3A_39, %max3A_40 : vector<512x2048xf32>
    %sub3A_42 = arith.subf %min3A_38, %max3A_41 : vector<512x2048xf32>
    %jit3A_43 = arith.constant 0.000000e+00 : f32
    %max3A_44 = vector.broadcast %jit3A_43 : f32 to vector<512x2048xf32>
    %max3A_45 = arith.maximumf %max3A_44, %sub3A_42 : vector<512x2048xf32>
    %mul3A_46 = arith.mulf %max3A_35, %max3A_45 : vector<512x2048xf32>
    %add3A = vector.broadcast %slice3A_28 : vector<512x1xf32> to vector<512x2048xf32>
    %add3A_47 = vector.broadcast %mul3A : vector<1x2048xf32> to vector<512x2048xf32>
    %add3A_48 = arith.addf %add3A, %add3A_47 : vector<512x2048xf32>
    %sub3A_49 = arith.subf %add3A_48, %mul3A_46 : vector<512x2048xf32>
    %add3A_50 = arith.constant 9.99999971E-10 : f32
    %add3A_51 = vector.broadcast %add3A_50 : f32 to vector<512x2048xf32>
    %add3A_52 = arith.addf %sub3A_49, %add3A_51 : vector<512x2048xf32>
    %mul3A_53 = arith.constant 5.000000e-01 : f32
    %mul3A_54 = vector.broadcast %mul3A_53 : f32 to vector<512x2048xf32>
    %mul3A_55 = arith.mulf %mul3A_54, %add3A_52 : vector<512x2048xf32>
    %gt3A = arith.cmpf ogt, %mul3A_46, %mul3A_55 : vector<512x2048xf32>
    %convert_element_type3A_56 = arith.extui %gt3A : vector<512x2048xi1> to vector<512x2048xi32>
    %convert_element_type3A_57 = arith.sitofp %convert_element_type3A_56 : vector<512x2048xi32> to vector<512x2048xf32>
    %slice3A_58 = vector.extract_strided_slice %convert_element_type3A_57 {offsets = [0, 0], sizes = [512, 512], strides = [1, 1]} : vector<512x2048xf32> to vector<512x512xf32>
    %mul3A_59 = arith.mulf %slice3A_58, %convert_element_type3A_22 : vector<512x512xf32>
    %slice3A_60 = vector.extract_strided_slice %broadcast_in_dim3A_23 {offsets = [0, 0], sizes = [1, 512], strides = [1, 1]} : vector<1x2048xi1> to vector<1x512xi1>
    %jit3A_61 = arith.constant 0.000000e+00 : f32
    %jit3A_62 = arith.constant 1.000000e+00 : f32
    %broadcast_in_dim3A_63 = vector.broadcast %jit3A_61 : f32 to vector<1x512xf32>
    %broadcast_in_dim3A_64 = vector.broadcast %jit3A_62 : f32 to vector<1x512xf32>
    %select_n3A = arith.select %slice3A_60, %broadcast_in_dim3A_63, %broadcast_in_dim3A_64 : vector<1x512xi1>, vector<1x512xf32>
    %swap3A = arith.constant 0 : index
    %swap3A_65 = arith.constant 0 : index
    %swap3A_66 = vector.load %arg4[%swap3A, %swap3A_65] : memref<1x512xf32, #tpu.memory_space<vmem>>, vector<1x512xf32>
    tpu.vector_store %arg4[%swap3A, %swap3A_65], %select_n3A {strides = array<i32>} : memref<1x512xf32, #tpu.memory_space<vmem>>, vector<1x512xf32>,
    %while3A = arith.constant true
    %while3A_67 = scf.while (%while3A_1200 = %while3A) : (i1) -> i1 {
      scf.condition(%while3A_1200) %while3A_1200 : i1
    } do {
    ^bb0(%while3A_1200: i1):
      %get3A_1201 = arith.constant 0 : index
      %get3A_1202 = arith.constant 0 : index
      %get3A_1203 = vector.load %arg4[%get3A_1201, %get3A_1202] : memref<1x512xf32, #tpu.memory_space<vmem>>, vector<1x512xf32>
      %dot_general3A_1204 = arith.constant dense<0.000000e+00> : vector<1x512xf32>
      %dot_general3A_1205 = tpu.matmul %get3A_1203, %mul3A_59, %dot_general3A_1204 {dimension_numbers = #tpu.dot_dimension_numbers<[1], [0], [0], [1], [0, 0, 1, 1], [], []>, transpose_lhs_hint = false} : vector<1x512xf32>, vector<512x512xf32>, vector<1x512xf32> -> vector<1x512xf32>
      %lt3A_1206 = arith.constant 5.000000e-01 : f32
      %lt3A_1207 = vector.broadcast %lt3A_1206 : f32 to vector<1x512xf32>
      %lt3A_1208 = arith.cmpf olt, %dot_general3A_1205, %lt3A_1207 : vector<1x512xf32>
      %jit3A_1209 = arith.constant 1.000000e+00 : f32
      %jit3A_1210 = arith.constant 0.000000e+00 : f32
      %broadcast_in_dim3A_1211 = vector.broadcast %jit3A_1209 : f32 to vector<1x512xf32>
      %broadcast_in_dim3A_1212 = vector.broadcast %jit3A_1210 : f32 to vector<1x512xf32>
      %select_n3A_1213 = arith.select %lt3A_1208, %broadcast_in_dim3A_1211, %broadcast_in_dim3A_1212 : vector<1x512xi1>, vector<1x512xf32>
      %mul3A_1214 = arith.mulf %select_n3A, %select_n3A_1213 : vector<1x512xf32>
      %dot_general3A_1215 = arith.constant dense<0.000000e+00> : vector<1x512xf32>
      %dot_general3A_1216 = tpu.matmul %mul3A_1214, %mul3A_59, %dot_general3A_1215 {dimension_numbers = #tpu.dot_dimension_numbers<[1], [0], [0], [1], [0, 0, 1, 1], [], []>, transpose_lhs_hint = false} : vector<1x512xf32>, vector<512x512xf32>, vector<1x512xf32> -> vector<1x512xf32>
      %lt3A_1217 = arith.constant 5.000000e-01 : f32
      %lt3A_1218 = vector.broadcast %lt3A_1217 : f32 to vector<1x512xf32>
      %lt3A_1219 = arith.cmpf olt, %dot_general3A_1216, %lt3A_1218 : vector<1x512xf32>
      %jit3A_1220 = arith.constant 1.000000e+00 : f32
      %jit3A_1221 = arith.constant 0.000000e+00 : f32
      %broadcast_in_dim3A_1222 = vector.broadcast %jit3A_1220 : f32 to vector<1x512xf32>
      %broadcast_in_dim3A_1223 = vector.broadcast %jit3A_1221 : f32 to vector<1x512xf32>
      %select_n3A_1224 = arith.select %lt3A_1219, %broadcast_in_dim3A_1222, %broadcast_in_dim3A_1223 : vector<1x512xi1>, vector<1x512xf32>
      %mul3A_1225 = arith.mulf %select_n3A, %select_n3A_1224 : vector<1x512xf32>
      %swap3A_1226 = arith.constant 0 : index
      %swap3A_1227 = arith.constant 0 : index
      %swap3A_1228 = vector.load %arg4[%swap3A_1226, %swap3A_1227] : memref<1x512xf32, #tpu.memory_space<vmem>>, vector<1x512xf32>
      tpu.vector_store %arg4[%swap3A_1226, %swap3A_1227], %mul3A_1225 {strides = array<i32>} : memref<1x512xf32, #tpu.memory_space<vmem>>, vector<1x512xf32>,
      %ne3A = arith.cmpf one, %mul3A_1225, %mul3A_1214 : vector<1x512xf32>
      %reduce_or3A = arith.constant 1.000000e+00 : f32
      %reduce_or3A_1229 = arith.constant 0.000000e+00 : f32
      %reduce_or3A_1230 = vector.broadcast %reduce_or3A : f32 to vector<1x512xf32>
      %reduce_or3A_1231 = vector.broadcast %reduce_or3A_1229 : f32 to vector<1x512xf32>
      %reduce_or3A_1232 = arith.select %ne3A, %reduce_or3A_1230, %reduce_or3A_1231 : vector<1x512xi1>, vector<1x512xf32>
      %reduce_or3A_1233 = vector.shape_cast %reduce_or3A_1232 : vector<1x512xf32> to vector<1x1x512xf32>
      %reduce_or3A_1234 = arith.constant dense<0xFF800000> : vector<1xf32>
      %reduce_or3A_1235 = vector.multi_reduction <maximumf>, %reduce_or3A_1233, %reduce_or3A_1234 [1, 2] : vector<1x1x512xf32> to vector<1xf32>
      %reduce_or3A_1236 = vector.shape_cast %reduce_or3A_1235 : vector<1xf32> to vector<1x1x1xf32>
      %reduce_or3A_1237 = vector.extract %reduce_or3A_1236[0, 0, 0] : f32 from vector<1x1x1xf32>
      %reduce_or3A_1238 = arith.constant 0.000000e+00 : f32
      %reduce_or3A_1239 = arith.cmpf ogt, %reduce_or3A_1237, %reduce_or3A_1238 : f32
      scf.yield %reduce_or3A_1239 : i1
    }
    %get3A_68 = arith.constant 0 : index
    %get3A_69 = arith.constant 0 : index
    %get3A_70 = vector.load %arg4[%get3A_68, %get3A_69] : memref<1x512xf32, #tpu.memory_space<vmem>>, vector<1x512xf32>
    %gt3A_71 = arith.constant 5.000000e-01 : f32
    %gt3A_72 = vector.broadcast %gt3A_71 : f32 to vector<1x512xf32>
    %gt3A_73 = arith.cmpf ogt, %get3A_70, %gt3A_72 : vector<1x512xf32>
    %convert_element_type3A_74 = arith.extui %gt3A_73 : vector<1x512xi1> to vector<1x512xi32>
    %convert_element_type3A_75 = arith.sitofp %convert_element_type3A_74 : vector<1x512xi32> to vector<1x512xf32>
    %dot_general3A = arith.constant dense<0.000000e+00> : vector<1x2048xf32>
    %dot_general3A_76 = tpu.matmul %convert_element_type3A_75, %convert_element_type3A_57, %dot_general3A {dimension_numbers = #tpu.dot_dimension_numbers<[1], [0], [0], [1], [0, 0, 1, 1], [], []>, transpose_lhs_hint = false} : vector<1x512xf32>, vector<512x2048xf32>, vector<1x2048xf32> -> vector<1x2048xf32>
    %gt3A_77 = arith.constant 5.000000e-01 : f32
    %gt3A_78 = vector.broadcast %gt3A_77 : f32 to vector<1x2048xf32>
    %gt3A_79 = arith.cmpf ogt, %dot_general3A_76, %gt3A_78 : vector<1x2048xf32>
    %or3A = arith.ori %broadcast_in_dim3A_23, %gt3A_79 : vector<1x2048xi1>
    %slice3A_80 = vector.extract_strided_slice %slice3A {offsets = [512, 0], sizes = [512, 1], strides = [1, 1]} : vector<2048x1xf32> to vector<512x1xf32>
    %slice3A_81 = vector.extract_strided_slice %slice3A_5 {offsets = [512, 0], sizes = [512, 1], strides = [1, 1]} : vector<2048x1xf32> to vector<512x1xf32>
    %slice3A_82 = vector.extract_strided_slice %slice3A_6 {offsets = [512, 0], sizes = [512, 1], strides = [1, 1]} : vector<2048x1xf32> to vector<512x1xf32>
    %slice3A_83 = vector.extract_strided_slice %slice3A_7 {offsets = [512, 0], sizes = [512, 1], strides = [1, 1]} : vector<2048x1xf32> to vector<512x1xf32>
    %slice3A_84 = vector.extract_strided_slice %mul3A_18 {offsets = [512, 0], sizes = [512, 1], strides = [1, 1]} : vector<2048x1xf32> to vector<512x1xf32>
    %slice3A_85 = vector.extract_strided_slice %slice3A_10 {offsets = [0, 512], sizes = [1, 1536], strides = [1, 1]} : vector<1x2048xf32> to vector<1x1536xf32>
    %min3A_86 = vector.broadcast %slice3A_82 : vector<512x1xf32> to vector<512x1536xf32>
    %min3A_87 = vector.broadcast %slice3A_85 : vector<1x1536xf32> to vector<512x1536xf32>
    %min3A_88 = arith.minimumf %min3A_86, %min3A_87 : vector<512x1536xf32>
    %slice3A_89 = vector.extract_strided_slice %slice3A_8 {offsets = [0, 512], sizes = [1, 1536], strides = [1, 1]} : vector<1x2048xf32> to vector<1x1536xf32>
    %max3A_90 = vector.broadcast %slice3A_80 : vector<512x1xf32> to vector<512x1536xf32>
    %max3A_91 = vector.broadcast %slice3A_89 : vector<1x1536xf32> to vector<512x1536xf32>
    %max3A_92 = arith.maximumf %max3A_90, %max3A_91 : vector<512x1536xf32>
    %sub3A_93 = arith.subf %min3A_88, %max3A_92 : vector<512x1536xf32>
    %jit3A_94 = arith.constant 0.000000e+00 : f32
    %max3A_95 = vector.broadcast %jit3A_94 : f32 to vector<512x1536xf32>
    %max3A_96 = arith.maximumf %max3A_95, %sub3A_93 : vector<512x1536xf32>
    %slice3A_97 = vector.extract_strided_slice %slice3A_11 {offsets = [0, 512], sizes = [1, 1536], strides = [1, 1]} : vector<1x2048xf32> to vector<1x1536xf32>
    %min3A_98 = vector.broadcast %slice3A_83 : vector<512x1xf32> to vector<512x1536xf32>
    %min3A_99 = vector.broadcast %slice3A_97 : vector<1x1536xf32> to vector<512x1536xf32>
    %min3A_100 = arith.minimumf %min3A_98, %min3A_99 : vector<512x1536xf32>
    %slice3A_101 = vector.extract_strided_slice %slice3A_9 {offsets = [0, 512], sizes = [1, 1536], strides = [1, 1]} : vector<1x2048xf32> to vector<1x1536xf32>
    %max3A_102 = vector.broadcast %slice3A_81 : vector<512x1xf32> to vector<512x1536xf32>
    %max3A_103 = vector.broadcast %slice3A_101 : vector<1x1536xf32> to vector<512x1536xf32>
    %max3A_104 = arith.maximumf %max3A_102, %max3A_103 : vector<512x1536xf32>
    %sub3A_105 = arith.subf %min3A_100, %max3A_104 : vector<512x1536xf32>
    %jit3A_106 = arith.constant 0.000000e+00 : f32
    %max3A_107 = vector.broadcast %jit3A_106 : f32 to vector<512x1536xf32>
    %max3A_108 = arith.maximumf %max3A_107, %sub3A_105 : vector<512x1536xf32>
    %mul3A_109 = arith.mulf %max3A_96, %max3A_108 : vector<512x1536xf32>
    %slice3A_110 = vector.extract_strided_slice %mul3A {offsets = [0, 512], sizes = [1, 1536], strides = [1, 1]} : vector<1x2048xf32> to vector<1x1536xf32>
    %add3A_111 = vector.broadcast %slice3A_84 : vector<512x1xf32> to vector<512x1536xf32>
    %add3A_112 = vector.broadcast %slice3A_110 : vector<1x1536xf32> to vector<512x1536xf32>
    %add3A_113 = arith.addf %add3A_111, %add3A_112 : vector<512x1536xf32>
    %sub3A_114 = arith.subf %add3A_113, %mul3A_109 : vector<512x1536xf32>
    %add3A_115 = arith.constant 9.99999971E-10 : f32
    %add3A_116 = vector.broadcast %add3A_115 : f32 to vector<512x1536xf32>
    %add3A_117 = arith.addf %sub3A_114, %add3A_116 : vector<512x1536xf32>
    %mul3A_118 = arith.constant 5.000000e-01 : f32
    %mul3A_119 = vector.broadcast %mul3A_118 : f32 to vector<512x1536xf32>
    %mul3A_120 = arith.mulf %mul3A_119, %add3A_117 : vector<512x1536xf32>
    %gt3A_121 = arith.cmpf ogt, %mul3A_109, %mul3A_120 : vector<512x1536xf32>
    %convert_element_type3A_122 = arith.extui %gt3A_121 : vector<512x1536xi1> to vector<512x1536xi32>
    %convert_element_type3A_123 = arith.sitofp %convert_element_type3A_122 : vector<512x1536xi32> to vector<512x1536xf32>
    %slice3A_124 = vector.extract_strided_slice %convert_element_type3A_123 {offsets = [0, 0], sizes = [512, 512], strides = [1, 1]} : vector<512x1536xf32> to vector<512x512xf32>
    %mul3A_125 = arith.mulf %slice3A_124, %convert_element_type3A_22 : vector<512x512xf32>
    %slice3A_126 = vector.extract_strided_slice %or3A {offsets = [0, 512], sizes = [1, 512], strides = [1, 1]} : vector<1x2048xi1> to vector<1x512xi1>
    %jit3A_127 = arith.constant 0.000000e+00 : f32
    %jit3A_128 = arith.constant 1.000000e+00 : f32
    %broadcast_in_dim3A_129 = vector.broadcast %jit3A_127 : f32 to vector<1x512xf32>
    %broadcast_in_dim3A_130 = vector.broadcast %jit3A_128 : f32 to vector<1x512xf32>
    %select_n3A_131 = arith.select %slice3A_126, %broadcast_in_dim3A_129, %broadcast_in_dim3A_130 : vector<1x512xi1>, vector<1x512xf32>
    %swap3A_132 = arith.constant 0 : index
    %swap3A_133 = arith.constant 0 : index
    %swap3A_134 = vector.load %arg4[%swap3A_132, %swap3A_133] : memref<1x512xf32, #tpu.memory_space<vmem>>, vector<1x512xf32>
    tpu.vector_store %arg4[%swap3A_132, %swap3A_133], %select_n3A_131 {strides = array<i32>} : memref<1x512xf32, #tpu.memory_space<vmem>>, vector<1x512xf32>,
    %while3A_135 = arith.constant true
    %while3A_136 = scf.while (%while3A_1200 = %while3A_135) : (i1) -> i1 {
      scf.condition(%while3A_1200) %while3A_1200 : i1
    } do {
    ^bb0(%while3A_1200: i1):
      %get3A_1201 = arith.constant 0 : index
      %get3A_1202 = arith.constant 0 : index
      %get3A_1203 = vector.load %arg4[%get3A_1201, %get3A_1202] : memref<1x512xf32, #tpu.memory_space<vmem>>, vector<1x512xf32>
      %dot_general3A_1204 = arith.constant dense<0.000000e+00> : vector<1x512xf32>
      %dot_general3A_1205 = tpu.matmul %get3A_1203, %mul3A_125, %dot_general3A_1204 {dimension_numbers = #tpu.dot_dimension_numbers<[1], [0], [0], [1], [0, 0, 1, 1], [], []>, transpose_lhs_hint = false} : vector<1x512xf32>, vector<512x512xf32>, vector<1x512xf32> -> vector<1x512xf32>
      %lt3A_1206 = arith.constant 5.000000e-01 : f32
      %lt3A_1207 = vector.broadcast %lt3A_1206 : f32 to vector<1x512xf32>
      %lt3A_1208 = arith.cmpf olt, %dot_general3A_1205, %lt3A_1207 : vector<1x512xf32>
      %jit3A_1209 = arith.constant 1.000000e+00 : f32
      %jit3A_1210 = arith.constant 0.000000e+00 : f32
      %broadcast_in_dim3A_1211 = vector.broadcast %jit3A_1209 : f32 to vector<1x512xf32>
      %broadcast_in_dim3A_1212 = vector.broadcast %jit3A_1210 : f32 to vector<1x512xf32>
      %select_n3A_1213 = arith.select %lt3A_1208, %broadcast_in_dim3A_1211, %broadcast_in_dim3A_1212 : vector<1x512xi1>, vector<1x512xf32>
      %mul3A_1214 = arith.mulf %select_n3A_131, %select_n3A_1213 : vector<1x512xf32>
      %dot_general3A_1215 = arith.constant dense<0.000000e+00> : vector<1x512xf32>
      %dot_general3A_1216 = tpu.matmul %mul3A_1214, %mul3A_125, %dot_general3A_1215 {dimension_numbers = #tpu.dot_dimension_numbers<[1], [0], [0], [1], [0, 0, 1, 1], [], []>, transpose_lhs_hint = false} : vector<1x512xf32>, vector<512x512xf32>, vector<1x512xf32> -> vector<1x512xf32>
      %lt3A_1217 = arith.constant 5.000000e-01 : f32
      %lt3A_1218 = vector.broadcast %lt3A_1217 : f32 to vector<1x512xf32>
      %lt3A_1219 = arith.cmpf olt, %dot_general3A_1216, %lt3A_1218 : vector<1x512xf32>
      %jit3A_1220 = arith.constant 1.000000e+00 : f32
      %jit3A_1221 = arith.constant 0.000000e+00 : f32
      %broadcast_in_dim3A_1222 = vector.broadcast %jit3A_1220 : f32 to vector<1x512xf32>
      %broadcast_in_dim3A_1223 = vector.broadcast %jit3A_1221 : f32 to vector<1x512xf32>
      %select_n3A_1224 = arith.select %lt3A_1219, %broadcast_in_dim3A_1222, %broadcast_in_dim3A_1223 : vector<1x512xi1>, vector<1x512xf32>
      %mul3A_1225 = arith.mulf %select_n3A_131, %select_n3A_1224 : vector<1x512xf32>
      %swap3A_1226 = arith.constant 0 : index
      %swap3A_1227 = arith.constant 0 : index
      %swap3A_1228 = vector.load %arg4[%swap3A_1226, %swap3A_1227] : memref<1x512xf32, #tpu.memory_space<vmem>>, vector<1x512xf32>
      tpu.vector_store %arg4[%swap3A_1226, %swap3A_1227], %mul3A_1225 {strides = array<i32>} : memref<1x512xf32, #tpu.memory_space<vmem>>, vector<1x512xf32>,
      %ne3A = arith.cmpf one, %mul3A_1225, %mul3A_1214 : vector<1x512xf32>
      %reduce_or3A = arith.constant 1.000000e+00 : f32
      %reduce_or3A_1229 = arith.constant 0.000000e+00 : f32
      %reduce_or3A_1230 = vector.broadcast %reduce_or3A : f32 to vector<1x512xf32>
      %reduce_or3A_1231 = vector.broadcast %reduce_or3A_1229 : f32 to vector<1x512xf32>
      %reduce_or3A_1232 = arith.select %ne3A, %reduce_or3A_1230, %reduce_or3A_1231 : vector<1x512xi1>, vector<1x512xf32>
      %reduce_or3A_1233 = vector.shape_cast %reduce_or3A_1232 : vector<1x512xf32> to vector<1x1x512xf32>
      %reduce_or3A_1234 = arith.constant dense<0xFF800000> : vector<1xf32>
      %reduce_or3A_1235 = vector.multi_reduction <maximumf>, %reduce_or3A_1233, %reduce_or3A_1234 [1, 2] : vector<1x1x512xf32> to vector<1xf32>
      %reduce_or3A_1236 = vector.shape_cast %reduce_or3A_1235 : vector<1xf32> to vector<1x1x1xf32>
      %reduce_or3A_1237 = vector.extract %reduce_or3A_1236[0, 0, 0] : f32 from vector<1x1x1xf32>
      %reduce_or3A_1238 = arith.constant 0.000000e+00 : f32
      %reduce_or3A_1239 = arith.cmpf ogt, %reduce_or3A_1237, %reduce_or3A_1238 : f32
      scf.yield %reduce_or3A_1239 : i1
    }
    %get3A_137 = arith.constant 0 : index
    %get3A_138 = arith.constant 0 : index
    %get3A_139 = vector.load %arg4[%get3A_137, %get3A_138] : memref<1x512xf32, #tpu.memory_space<vmem>>, vector<1x512xf32>
    %gt3A_140 = arith.constant 5.000000e-01 : f32
    %gt3A_141 = vector.broadcast %gt3A_140 : f32 to vector<1x512xf32>
    %gt3A_142 = arith.cmpf ogt, %get3A_139, %gt3A_141 : vector<1x512xf32>
    %convert_element_type3A_143 = arith.extui %gt3A_142 : vector<1x512xi1> to vector<1x512xi32>
    %convert_element_type3A_144 = arith.sitofp %convert_element_type3A_143 : vector<1x512xi32> to vector<1x512xf32>
    %dot_general3A_145 = arith.constant dense<0.000000e+00> : vector<1x1536xf32>
    %dot_general3A_146 = tpu.matmul %convert_element_type3A_144, %convert_element_type3A_123, %dot_general3A_145 {dimension_numbers = #tpu.dot_dimension_numbers<[1], [0], [0], [1], [0, 0, 1, 1], [], []>, transpose_lhs_hint = false} : vector<1x512xf32>, vector<512x1536xf32>, vector<1x1536xf32> -> vector<1x1536xf32>
    %gt3A_147 = arith.constant 5.000000e-01 : f32
    %gt3A_148 = vector.broadcast %gt3A_147 : f32 to vector<1x1536xf32>
    %gt3A_149 = arith.cmpf ogt, %dot_general3A_146, %gt3A_148 : vector<1x1536xf32>
    %slice3A_150 = vector.extract_strided_slice %or3A {offsets = [0, 512], sizes = [1, 1536], strides = [1, 1]} : vector<1x2048xi1> to vector<1x1536xi1>
    %or3A_151 = arith.ori %slice3A_150, %gt3A_149 : vector<1x1536xi1>
    %slice3A_152 = vector.extract_strided_slice %or3A {offsets = [0, 0], sizes = [1, 512], strides = [1, 1]} : vector<1x2048xi1> to vector<1x512xi1>
    %concatenate3A = tpu.concatenate %slice3A_152, %or3A_151 in 1 : vector<1x512xi1>, vector<1x1536xi1> -> vector<1x2048xi1>
    %slice3A_153 = vector.extract_strided_slice %slice3A {offsets = [1024, 0], sizes = [512, 1], strides = [1, 1]} : vector<2048x1xf32> to vector<512x1xf32>
    %slice3A_154 = vector.extract_strided_slice %slice3A_5 {offsets = [1024, 0], sizes = [512, 1], strides = [1, 1]} : vector<2048x1xf32> to vector<512x1xf32>
    %slice3A_155 = vector.extract_strided_slice %slice3A_6 {offsets = [1024, 0], sizes = [512, 1], strides = [1, 1]} : vector<2048x1xf32> to vector<512x1xf32>
    %slice3A_156 = vector.extract_strided_slice %slice3A_7 {offsets = [1024, 0], sizes = [512, 1], strides = [1, 1]} : vector<2048x1xf32> to vector<512x1xf32>
    %slice3A_157 = vector.extract_strided_slice %mul3A_18 {offsets = [1024, 0], sizes = [512, 1], strides = [1, 1]} : vector<2048x1xf32> to vector<512x1xf32>
    %slice3A_158 = vector.extract_strided_slice %slice3A_10 {offsets = [0, 1024], sizes = [1, 1024], strides = [1, 1]} : vector<1x2048xf32> to vector<1x1024xf32>
    %min3A_159 = vector.broadcast %slice3A_155 : vector<512x1xf32> to vector<512x1024xf32>
    %min3A_160 = vector.broadcast %slice3A_158 : vector<1x1024xf32> to vector<512x1024xf32>
    %min3A_161 = arith.minimumf %min3A_159, %min3A_160 : vector<512x1024xf32>
    %slice3A_162 = vector.extract_strided_slice %slice3A_8 {offsets = [0, 1024], sizes = [1, 1024], strides = [1, 1]} : vector<1x2048xf32> to vector<1x1024xf32>
    %max3A_163 = vector.broadcast %slice3A_153 : vector<512x1xf32> to vector<512x1024xf32>
    %max3A_164 = vector.broadcast %slice3A_162 : vector<1x1024xf32> to vector<512x1024xf32>
    %max3A_165 = arith.maximumf %max3A_163, %max3A_164 : vector<512x1024xf32>
    %sub3A_166 = arith.subf %min3A_161, %max3A_165 : vector<512x1024xf32>
    %jit3A_167 = arith.constant 0.000000e+00 : f32
    %max3A_168 = vector.broadcast %jit3A_167 : f32 to vector<512x1024xf32>
    %max3A_169 = arith.maximumf %max3A_168, %sub3A_166 : vector<512x1024xf32>
    %slice3A_170 = vector.extract_strided_slice %slice3A_11 {offsets = [0, 1024], sizes = [1, 1024], strides = [1, 1]} : vector<1x2048xf32> to vector<1x1024xf32>
    %min3A_171 = vector.broadcast %slice3A_156 : vector<512x1xf32> to vector<512x1024xf32>
    %min3A_172 = vector.broadcast %slice3A_170 : vector<1x1024xf32> to vector<512x1024xf32>
    %min3A_173 = arith.minimumf %min3A_171, %min3A_172 : vector<512x1024xf32>
    %slice3A_174 = vector.extract_strided_slice %slice3A_9 {offsets = [0, 1024], sizes = [1, 1024], strides = [1, 1]} : vector<1x2048xf32> to vector<1x1024xf32>
    %max3A_175 = vector.broadcast %slice3A_154 : vector<512x1xf32> to vector<512x1024xf32>
    %max3A_176 = vector.broadcast %slice3A_174 : vector<1x1024xf32> to vector<512x1024xf32>
    %max3A_177 = arith.maximumf %max3A_175, %max3A_176 : vector<512x1024xf32>
    %sub3A_178 = arith.subf %min3A_173, %max3A_177 : vector<512x1024xf32>
    %jit3A_179 = arith.constant 0.000000e+00 : f32
    %max3A_180 = vector.broadcast %jit3A_179 : f32 to vector<512x1024xf32>
    %max3A_181 = arith.maximumf %max3A_180, %sub3A_178 : vector<512x1024xf32>
    %mul3A_182 = arith.mulf %max3A_169, %max3A_181 : vector<512x1024xf32>
    %slice3A_183 = vector.extract_strided_slice %mul3A {offsets = [0, 1024], sizes = [1, 1024], strides = [1, 1]} : vector<1x2048xf32> to vector<1x1024xf32>
    %add3A_184 = vector.broadcast %slice3A_157 : vector<512x1xf32> to vector<512x1024xf32>
    %add3A_185 = vector.broadcast %slice3A_183 : vector<1x1024xf32> to vector<512x1024xf32>
    %add3A_186 = arith.addf %add3A_184, %add3A_185 : vector<512x1024xf32>
    %sub3A_187 = arith.subf %add3A_186, %mul3A_182 : vector<512x1024xf32>
    %add3A_188 = arith.constant 9.99999971E-10 : f32
    %add3A_189 = vector.broadcast %add3A_188 : f32 to vector<512x1024xf32>
    %add3A_190 = arith.addf %sub3A_187, %add3A_189 : vector<512x1024xf32>
    %mul3A_191 = arith.constant 5.000000e-01 : f32
    %mul3A_192 = vector.broadcast %mul3A_191 : f32 to vector<512x1024xf32>
    %mul3A_193 = arith.mulf %mul3A_192, %add3A_190 : vector<512x1024xf32>
    %gt3A_194 = arith.cmpf ogt, %mul3A_182, %mul3A_193 : vector<512x1024xf32>
    %convert_element_type3A_195 = arith.extui %gt3A_194 : vector<512x1024xi1> to vector<512x1024xi32>
    %convert_element_type3A_196 = arith.sitofp %convert_element_type3A_195 : vector<512x1024xi32> to vector<512x1024xf32>
    %slice3A_197 = vector.extract_strided_slice %convert_element_type3A_196 {offsets = [0, 0], sizes = [512, 512], strides = [1, 1]} : vector<512x1024xf32> to vector<512x512xf32>
    %mul3A_198 = arith.mulf %slice3A_197, %convert_element_type3A_22 : vector<512x512xf32>
    %slice3A_199 = vector.extract_strided_slice %concatenate3A {offsets = [0, 1024], sizes = [1, 512], strides = [1, 1]} : vector<1x2048xi1> to vector<1x512xi1>
    %jit3A_200 = arith.constant 0.000000e+00 : f32
    %jit3A_201 = arith.constant 1.000000e+00 : f32
    %broadcast_in_dim3A_202 = vector.broadcast %jit3A_200 : f32 to vector<1x512xf32>
    %broadcast_in_dim3A_203 = vector.broadcast %jit3A_201 : f32 to vector<1x512xf32>
    %select_n3A_204 = arith.select %slice3A_199, %broadcast_in_dim3A_202, %broadcast_in_dim3A_203 : vector<1x512xi1>, vector<1x512xf32>
    %swap3A_205 = arith.constant 0 : index
    %swap3A_206 = arith.constant 0 : index
    %swap3A_207 = vector.load %arg4[%swap3A_205, %swap3A_206] : memref<1x512xf32, #tpu.memory_space<vmem>>, vector<1x512xf32>
    tpu.vector_store %arg4[%swap3A_205, %swap3A_206], %select_n3A_204 {strides = array<i32>} : memref<1x512xf32, #tpu.memory_space<vmem>>, vector<1x512xf32>,
    %while3A_208 = arith.constant true
    %while3A_209 = scf.while (%while3A_1200 = %while3A_208) : (i1) -> i1 {
      scf.condition(%while3A_1200) %while3A_1200 : i1
    } do {
    ^bb0(%while3A_1200: i1):
      %get3A_1201 = arith.constant 0 : index
      %get3A_1202 = arith.constant 0 : index
      %get3A_1203 = vector.load %arg4[%get3A_1201, %get3A_1202] : memref<1x512xf32, #tpu.memory_space<vmem>>, vector<1x512xf32>
      %dot_general3A_1204 = arith.constant dense<0.000000e+00> : vector<1x512xf32>
      %dot_general3A_1205 = tpu.matmul %get3A_1203, %mul3A_198, %dot_general3A_1204 {dimension_numbers = #tpu.dot_dimension_numbers<[1], [0], [0], [1], [0, 0, 1, 1], [], []>, transpose_lhs_hint = false} : vector<1x512xf32>, vector<512x512xf32>, vector<1x512xf32> -> vector<1x512xf32>
      %lt3A_1206 = arith.constant 5.000000e-01 : f32
      %lt3A_1207 = vector.broadcast %lt3A_1206 : f32 to vector<1x512xf32>
      %lt3A_1208 = arith.cmpf olt, %dot_general3A_1205, %lt3A_1207 : vector<1x512xf32>
      %jit3A_1209 = arith.constant 1.000000e+00 : f32
      %jit3A_1210 = arith.constant 0.000000e+00 : f32
      %broadcast_in_dim3A_1211 = vector.broadcast %jit3A_1209 : f32 to vector<1x512xf32>
      %broadcast_in_dim3A_1212 = vector.broadcast %jit3A_1210 : f32 to vector<1x512xf32>
      %select_n3A_1213 = arith.select %lt3A_1208, %broadcast_in_dim3A_1211, %broadcast_in_dim3A_1212 : vector<1x512xi1>, vector<1x512xf32>
      %mul3A_1214 = arith.mulf %select_n3A_204, %select_n3A_1213 : vector<1x512xf32>
      %dot_general3A_1215 = arith.constant dense<0.000000e+00> : vector<1x512xf32>
      %dot_general3A_1216 = tpu.matmul %mul3A_1214, %mul3A_198, %dot_general3A_1215 {dimension_numbers = #tpu.dot_dimension_numbers<[1], [0], [0], [1], [0, 0, 1, 1], [], []>, transpose_lhs_hint = false} : vector<1x512xf32>, vector<512x512xf32>, vector<1x512xf32> -> vector<1x512xf32>
      %lt3A_1217 = arith.constant 5.000000e-01 : f32
      %lt3A_1218 = vector.broadcast %lt3A_1217 : f32 to vector<1x512xf32>
      %lt3A_1219 = arith.cmpf olt, %dot_general3A_1216, %lt3A_1218 : vector<1x512xf32>
      %jit3A_1220 = arith.constant 1.000000e+00 : f32
      %jit3A_1221 = arith.constant 0.000000e+00 : f32
      %broadcast_in_dim3A_1222 = vector.broadcast %jit3A_1220 : f32 to vector<1x512xf32>
      %broadcast_in_dim3A_1223 = vector.broadcast %jit3A_1221 : f32 to vector<1x512xf32>
      %select_n3A_1224 = arith.select %lt3A_1219, %broadcast_in_dim3A_1222, %broadcast_in_dim3A_1223 : vector<1x512xi1>, vector<1x512xf32>
      %mul3A_1225 = arith.mulf %select_n3A_204, %select_n3A_1224 : vector<1x512xf32>
      %swap3A_1226 = arith.constant 0 : index
      %swap3A_1227 = arith.constant 0 : index
      %swap3A_1228 = vector.load %arg4[%swap3A_1226, %swap3A_1227] : memref<1x512xf32, #tpu.memory_space<vmem>>, vector<1x512xf32>
      tpu.vector_store %arg4[%swap3A_1226, %swap3A_1227], %mul3A_1225 {strides = array<i32>} : memref<1x512xf32, #tpu.memory_space<vmem>>, vector<1x512xf32>,
      %ne3A = arith.cmpf one, %mul3A_1225, %mul3A_1214 : vector<1x512xf32>
      %reduce_or3A = arith.constant 1.000000e+00 : f32
      %reduce_or3A_1229 = arith.constant 0.000000e+00 : f32
      %reduce_or3A_1230 = vector.broadcast %reduce_or3A : f32 to vector<1x512xf32>
      %reduce_or3A_1231 = vector.broadcast %reduce_or3A_1229 : f32 to vector<1x512xf32>
      %reduce_or3A_1232 = arith.select %ne3A, %reduce_or3A_1230, %reduce_or3A_1231 : vector<1x512xi1>, vector<1x512xf32>
      %reduce_or3A_1233 = vector.shape_cast %reduce_or3A_1232 : vector<1x512xf32> to vector<1x1x512xf32>
      %reduce_or3A_1234 = arith.constant dense<0xFF800000> : vector<1xf32>
      %reduce_or3A_1235 = vector.multi_reduction <maximumf>, %reduce_or3A_1233, %reduce_or3A_1234 [1, 2] : vector<1x1x512xf32> to vector<1xf32>
      %reduce_or3A_1236 = vector.shape_cast %reduce_or3A_1235 : vector<1xf32> to vector<1x1x1xf32>
      %reduce_or3A_1237 = vector.extract %reduce_or3A_1236[0, 0, 0] : f32 from vector<1x1x1xf32>
      %reduce_or3A_1238 = arith.constant 0.000000e+00 : f32
      %reduce_or3A_1239 = arith.cmpf ogt, %reduce_or3A_1237, %reduce_or3A_1238 : f32
      scf.yield %reduce_or3A_1239 : i1
    }
    %get3A_210 = arith.constant 0 : index
    %get3A_211 = arith.constant 0 : index
    %get3A_212 = vector.load %arg4[%get3A_210, %get3A_211] : memref<1x512xf32, #tpu.memory_space<vmem>>, vector<1x512xf32>
    %gt3A_213 = arith.constant 5.000000e-01 : f32
    %gt3A_214 = vector.broadcast %gt3A_213 : f32 to vector<1x512xf32>
    %gt3A_215 = arith.cmpf ogt, %get3A_212, %gt3A_214 : vector<1x512xf32>
    %convert_element_type3A_216 = arith.extui %gt3A_215 : vector<1x512xi1> to vector<1x512xi32>
    %convert_element_type3A_217 = arith.sitofp %convert_element_type3A_216 : vector<1x512xi32> to vector<1x512xf32>
    %dot_general3A_218 = arith.constant dense<0.000000e+00> : vector<1x1024xf32>
    %dot_general3A_219 = tpu.matmul %convert_element_type3A_217, %convert_element_type3A_196, %dot_general3A_218 {dimension_numbers = #tpu.dot_dimension_numbers<[1], [0], [0], [1], [0, 0, 1, 1], [], []>, transpose_lhs_hint = false} : vector<1x512xf32>, vector<512x1024xf32>, vector<1x1024xf32> -> vector<1x1024xf32>
    %gt3A_220 = arith.constant 5.000000e-01 : f32
    %gt3A_221 = vector.broadcast %gt3A_220 : f32 to vector<1x1024xf32>
    %gt3A_222 = arith.cmpf ogt, %dot_general3A_219, %gt3A_221 : vector<1x1024xf32>
    %slice3A_223 = vector.extract_strided_slice %concatenate3A {offsets = [0, 1024], sizes = [1, 1024], strides = [1, 1]} : vector<1x2048xi1> to vector<1x1024xi1>
    %or3A_224 = arith.ori %slice3A_223, %gt3A_222 : vector<1x1024xi1>
    %slice3A_225 = vector.extract_strided_slice %concatenate3A {offsets = [0, 0], sizes = [1, 1024], strides = [1, 1]} : vector<1x2048xi1> to vector<1x1024xi1>
    %concatenate3A_226 = tpu.concatenate %slice3A_225, %or3A_224 in 1 : vector<1x1024xi1>, vector<1x1024xi1> -> vector<1x2048xi1>
    %slice3A_227 = vector.extract_strided_slice %slice3A {offsets = [1536, 0], sizes = [512, 1], strides = [1, 1]} : vector<2048x1xf32> to vector<512x1xf32>
    %slice3A_228 = vector.extract_strided_slice %slice3A_5 {offsets = [1536, 0], sizes = [512, 1], strides = [1, 1]} : vector<2048x1xf32> to vector<512x1xf32>
    %slice3A_229 = vector.extract_strided_slice %slice3A_6 {offsets = [1536, 0], sizes = [512, 1], strides = [1, 1]} : vector<2048x1xf32> to vector<512x1xf32>
    %slice3A_230 = vector.extract_strided_slice %slice3A_7 {offsets = [1536, 0], sizes = [512, 1], strides = [1, 1]} : vector<2048x1xf32> to vector<512x1xf32>
    %slice3A_231 = vector.extract_strided_slice %mul3A_18 {offsets = [1536, 0], sizes = [512, 1], strides = [1, 1]} : vector<2048x1xf32> to vector<512x1xf32>
    %slice3A_232 = vector.extract_strided_slice %slice3A_10 {offsets = [0, 1536], sizes = [1, 512], strides = [1, 1]} : vector<1x2048xf32> to vector<1x512xf32>
    %min3A_233 = vector.broadcast %slice3A_229 : vector<512x1xf32> to vector<512x512xf32>
    %min3A_234 = vector.broadcast %slice3A_232 : vector<1x512xf32> to vector<512x512xf32>
    %min3A_235 = arith.minimumf %min3A_233, %min3A_234 : vector<512x512xf32>
    %slice3A_236 = vector.extract_strided_slice %slice3A_8 {offsets = [0, 1536], sizes = [1, 512], strides = [1, 1]} : vector<1x2048xf32> to vector<1x512xf32>
    %max3A_237 = vector.broadcast %slice3A_227 : vector<512x1xf32> to vector<512x512xf32>
    %max3A_238 = vector.broadcast %slice3A_236 : vector<1x512xf32> to vector<512x512xf32>
    %max3A_239 = arith.maximumf %max3A_237, %max3A_238 : vector<512x512xf32>
    %sub3A_240 = arith.subf %min3A_235, %max3A_239 : vector<512x512xf32>
    %jit3A_241 = arith.constant 0.000000e+00 : f32
    %max3A_242 = vector.broadcast %jit3A_241 : f32 to vector<512x512xf32>
    %max3A_243 = arith.maximumf %max3A_242, %sub3A_240 : vector<512x512xf32>
    %slice3A_244 = vector.extract_strided_slice %slice3A_11 {offsets = [0, 1536], sizes = [1, 512], strides = [1, 1]} : vector<1x2048xf32> to vector<1x512xf32>
    %min3A_245 = vector.broadcast %slice3A_230 : vector<512x1xf32> to vector<512x512xf32>
    %min3A_246 = vector.broadcast %slice3A_244 : vector<1x512xf32> to vector<512x512xf32>
    %min3A_247 = arith.minimumf %min3A_245, %min3A_246 : vector<512x512xf32>
    %slice3A_248 = vector.extract_strided_slice %slice3A_9 {offsets = [0, 1536], sizes = [1, 512], strides = [1, 1]} : vector<1x2048xf32> to vector<1x512xf32>
    %max3A_249 = vector.broadcast %slice3A_228 : vector<512x1xf32> to vector<512x512xf32>
    %max3A_250 = vector.broadcast %slice3A_248 : vector<1x512xf32> to vector<512x512xf32>
    %max3A_251 = arith.maximumf %max3A_249, %max3A_250 : vector<512x512xf32>
    %sub3A_252 = arith.subf %min3A_247, %max3A_251 : vector<512x512xf32>
    %jit3A_253 = arith.constant 0.000000e+00 : f32
    %max3A_254 = vector.broadcast %jit3A_253 : f32 to vector<512x512xf32>
    %max3A_255 = arith.maximumf %max3A_254, %sub3A_252 : vector<512x512xf32>
    %mul3A_256 = arith.mulf %max3A_243, %max3A_255 : vector<512x512xf32>
    %slice3A_257 = vector.extract_strided_slice %mul3A {offsets = [0, 1536], sizes = [1, 512], strides = [1, 1]} : vector<1x2048xf32> to vector<1x512xf32>
    %add3A_258 = vector.broadcast %slice3A_231 : vector<512x1xf32> to vector<512x512xf32>
    %add3A_259 = vector.broadcast %slice3A_257 : vector<1x512xf32> to vector<512x512xf32>
    %add3A_260 = arith.addf %add3A_258, %add3A_259 : vector<512x512xf32>
    %sub3A_261 = arith.subf %add3A_260, %mul3A_256 : vector<512x512xf32>
    %add3A_262 = arith.constant 9.99999971E-10 : f32
    %add3A_263 = vector.broadcast %add3A_262 : f32 to vector<512x512xf32>
    %add3A_264 = arith.addf %sub3A_261, %add3A_263 : vector<512x512xf32>
    %mul3A_265 = arith.constant 5.000000e-01 : f32
    %mul3A_266 = vector.broadcast %mul3A_265 : f32 to vector<512x512xf32>
    %mul3A_267 = arith.mulf %mul3A_266, %add3A_264 : vector<512x512xf32>
    %gt3A_268 = arith.cmpf ogt, %mul3A_256, %mul3A_267 : vector<512x512xf32>
    %convert_element_type3A_269 = arith.extui %gt3A_268 : vector<512x512xi1> to vector<512x512xi32>
    %convert_element_type3A_270 = arith.sitofp %convert_element_type3A_269 : vector<512x512xi32> to vector<512x512xf32>
    %mul3A_271 = arith.mulf %convert_element_type3A_270, %convert_element_type3A_22 : vector<512x512xf32>
    %slice3A_272 = vector.extract_strided_slice %concatenate3A_226 {offsets = [0, 1536], sizes = [1, 512], strides = [1, 1]} : vector<1x2048xi1> to vector<1x512xi1>
    %jit3A_273 = arith.constant 0.000000e+00 : f32
    %jit3A_274 = arith.constant 1.000000e+00 : f32
    %broadcast_in_dim3A_275 = vector.broadcast %jit3A_273 : f32 to vector<1x512xf32>
    %broadcast_in_dim3A_276 = vector.broadcast %jit3A_274 : f32 to vector<1x512xf32>
    %select_n3A_277 = arith.select %slice3A_272, %broadcast_in_dim3A_275, %broadcast_in_dim3A_276 : vector<1x512xi1>, vector<1x512xf32>
    %swap3A_278 = arith.constant 0 : index
    %swap3A_279 = arith.constant 0 : index
    %swap3A_280 = vector.load %arg4[%swap3A_278, %swap3A_279] : memref<1x512xf32, #tpu.memory_space<vmem>>, vector<1x512xf32>
    tpu.vector_store %arg4[%swap3A_278, %swap3A_279], %select_n3A_277 {strides = array<i32>} : memref<1x512xf32, #tpu.memory_space<vmem>>, vector<1x512xf32>,
    %while3A_281 = arith.constant true
    %while3A_282 = scf.while (%while3A_1200 = %while3A_281) : (i1) -> i1 {
      scf.condition(%while3A_1200) %while3A_1200 : i1
    } do {
    ^bb0(%while3A_1200: i1):
      %get3A_1201 = arith.constant 0 : index
      %get3A_1202 = arith.constant 0 : index
      %get3A_1203 = vector.load %arg4[%get3A_1201, %get3A_1202] : memref<1x512xf32, #tpu.memory_space<vmem>>, vector<1x512xf32>
      %dot_general3A_1204 = arith.constant dense<0.000000e+00> : vector<1x512xf32>
      %dot_general3A_1205 = tpu.matmul %get3A_1203, %mul3A_271, %dot_general3A_1204 {dimension_numbers = #tpu.dot_dimension_numbers<[1], [0], [0], [1], [0, 0, 1, 1], [], []>, transpose_lhs_hint = false} : vector<1x512xf32>, vector<512x512xf32>, vector<1x512xf32> -> vector<1x512xf32>
      %lt3A_1206 = arith.constant 5.000000e-01 : f32
      %lt3A_1207 = vector.broadcast %lt3A_1206 : f32 to vector<1x512xf32>
      %lt3A_1208 = arith.cmpf olt, %dot_general3A_1205, %lt3A_1207 : vector<1x512xf32>
      %jit3A_1209 = arith.constant 1.000000e+00 : f32
      %jit3A_1210 = arith.constant 0.000000e+00 : f32
      %broadcast_in_dim3A_1211 = vector.broadcast %jit3A_1209 : f32 to vector<1x512xf32>
      %broadcast_in_dim3A_1212 = vector.broadcast %jit3A_1210 : f32 to vector<1x512xf32>
      %select_n3A_1213 = arith.select %lt3A_1208, %broadcast_in_dim3A_1211, %broadcast_in_dim3A_1212 : vector<1x512xi1>, vector<1x512xf32>
      %mul3A_1214 = arith.mulf %select_n3A_277, %select_n3A_1213 : vector<1x512xf32>
      %dot_general3A_1215 = arith.constant dense<0.000000e+00> : vector<1x512xf32>
      %dot_general3A_1216 = tpu.matmul %mul3A_1214, %mul3A_271, %dot_general3A_1215 {dimension_numbers = #tpu.dot_dimension_numbers<[1], [0], [0], [1], [0, 0, 1, 1], [], []>, transpose_lhs_hint = false} : vector<1x512xf32>, vector<512x512xf32>, vector<1x512xf32> -> vector<1x512xf32>
      %lt3A_1217 = arith.constant 5.000000e-01 : f32
      %lt3A_1218 = vector.broadcast %lt3A_1217 : f32 to vector<1x512xf32>
      %lt3A_1219 = arith.cmpf olt, %dot_general3A_1216, %lt3A_1218 : vector<1x512xf32>
      %jit3A_1220 = arith.constant 1.000000e+00 : f32
      %jit3A_1221 = arith.constant 0.000000e+00 : f32
      %broadcast_in_dim3A_1222 = vector.broadcast %jit3A_1220 : f32 to vector<1x512xf32>
      %broadcast_in_dim3A_1223 = vector.broadcast %jit3A_1221 : f32 to vector<1x512xf32>
      %select_n3A_1224 = arith.select %lt3A_1219, %broadcast_in_dim3A_1222, %broadcast_in_dim3A_1223 : vector<1x512xi1>, vector<1x512xf32>
      %mul3A_1225 = arith.mulf %select_n3A_277, %select_n3A_1224 : vector<1x512xf32>
      %swap3A_1226 = arith.constant 0 : index
      %swap3A_1227 = arith.constant 0 : index
      %swap3A_1228 = vector.load %arg4[%swap3A_1226, %swap3A_1227] : memref<1x512xf32, #tpu.memory_space<vmem>>, vector<1x512xf32>
      tpu.vector_store %arg4[%swap3A_1226, %swap3A_1227], %mul3A_1225 {strides = array<i32>} : memref<1x512xf32, #tpu.memory_space<vmem>>, vector<1x512xf32>,
      %ne3A = arith.cmpf one, %mul3A_1225, %mul3A_1214 : vector<1x512xf32>
      %reduce_or3A = arith.constant 1.000000e+00 : f32
      %reduce_or3A_1229 = arith.constant 0.000000e+00 : f32
      %reduce_or3A_1230 = vector.broadcast %reduce_or3A : f32 to vector<1x512xf32>
      %reduce_or3A_1231 = vector.broadcast %reduce_or3A_1229 : f32 to vector<1x512xf32>
      %reduce_or3A_1232 = arith.select %ne3A, %reduce_or3A_1230, %reduce_or3A_1231 : vector<1x512xi1>, vector<1x512xf32>
      %reduce_or3A_1233 = vector.shape_cast %reduce_or3A_1232 : vector<1x512xf32> to vector<1x1x512xf32>
      %reduce_or3A_1234 = arith.constant dense<0xFF800000> : vector<1xf32>
      %reduce_or3A_1235 = vector.multi_reduction <maximumf>, %reduce_or3A_1233, %reduce_or3A_1234 [1, 2] : vector<1x1x512xf32> to vector<1xf32>
      %reduce_or3A_1236 = vector.shape_cast %reduce_or3A_1235 : vector<1xf32> to vector<1x1x1xf32>
      %reduce_or3A_1237 = vector.extract %reduce_or3A_1236[0, 0, 0] : f32 from vector<1x1x1xf32>
      %reduce_or3A_1238 = arith.constant 0.000000e+00 : f32
      %reduce_or3A_1239 = arith.cmpf ogt, %reduce_or3A_1237, %reduce_or3A_1238 : f32
      scf.yield %reduce_or3A_1239 : i1
    }
    %get3A_283 = arith.constant 0 : index
    %get3A_284 = arith.constant 0 : index
    %get3A_285 = vector.load %arg4[%get3A_283, %get3A_284] : memref<1x512xf32, #tpu.memory_space<vmem>>, vector<1x512xf32>
    %gt3A_286 = arith.constant 5.000000e-01 : f32
    %gt3A_287 = vector.broadcast %gt3A_286 : f32 to vector<1x512xf32>
    %gt3A_288 = arith.cmpf ogt, %get3A_285, %gt3A_287 : vector<1x512xf32>
    %concatenate3A_289 = tpu.concatenate %gt3A_73, %gt3A_142, %gt3A_215, %gt3A_288 in 1 : vector<1x512xi1>, vector<1x512xi1>, vector<1x512xi1>, vector<1x512xi1> -> vector<1x2048xi1>
    %iota3A_290 = tpu.iota {dimensions = array<i32: 1>} : vector<1x2048xi32>
    %lt3A_291 = arith.constant 2000 : i32
    %lt3A_292 = vector.broadcast %lt3A_291 : i32 to vector<1x2048xi32>
    %lt3A_293 = arith.cmpi slt, %iota3A_290, %lt3A_292 : vector<1x2048xi32>
    %gt3A_294 = arith.constant -1.000000e+09 : f32
    %gt3A_295 = vector.broadcast %gt3A_294 : f32 to vector<1x2048xf32>
    %gt3A_296 = arith.cmpf ogt, %get3A_14, %gt3A_295 : vector<1x2048xf32>
    %and3A = arith.andi %concatenate3A_289, %gt3A_296 : vector<1x2048xi1>
    %and3A_297 = arith.andi %and3A, %lt3A_293 : vector<1x2048xi1>
    %not3A = arith.constant dense<true> : vector<1x2048xi1>
    %not3A_298 = arith.xori %and3A_297, %not3A : vector<1x2048xi1>
    %and3A_299 = arith.andi %lt3A_293, %not3A_298 : vector<1x2048xi1>
    %jit3A_300 = arith.constant -1.000000e+09 : f32
    %broadcast_in_dim3A_301 = vector.broadcast %jit3A_300 : f32 to vector<1x2048xf32>
    %select_n3A_302 = arith.select %and3A_297, %get3A_14, %broadcast_in_dim3A_301 : vector<1x2048xi1>, vector<1x2048xf32>
    %convert_element_type3A_303 = arith.extui %and3A_297 : vector<1x2048xi1> to vector<1x2048xi32>
    %convert_element_type3A_304 = arith.sitofp %convert_element_type3A_303 : vector<1x2048xi32> to vector<1x2048xf32>
    %convert_element_type3A_305 = arith.extui %and3A_299 : vector<1x2048xi1> to vector<1x2048xi32>
    %convert_element_type3A_306 = arith.sitofp %convert_element_type3A_305 : vector<1x2048xi32> to vector<1x2048xf32>
    %reduce_sum3A = vector.shape_cast %convert_element_type3A_304 : vector<1x2048xf32> to vector<1x1x2048xf32>
    %reduce_sum3A_307 = arith.constant dense<0.000000e+00> : vector<1xf32>
    %reduce_sum3A_308 = vector.multi_reduction <add>, %reduce_sum3A, %reduce_sum3A_307 [1, 2] : vector<1x1x2048xf32> to vector<1xf32>
    %reduce_sum3A_309 = vector.shape_cast %reduce_sum3A_308 : vector<1xf32> to vector<1x1x1xf32>
    %reduce_sum3A_310 = vector.extract %reduce_sum3A_309[0, 0, 0] : f32 from vector<1x1x1xf32>
    %le3A = arith.cmpi sle, %iota3A, %iota3A_19 : vector<128x128xi32>
    %convert_element_type3A_311 = arith.extui %le3A : vector<128x128xi1> to vector<128x128xi32>
    %convert_element_type3A_312 = arith.sitofp %convert_element_type3A_311 : vector<128x128xi32> to vector<128x128xf32>
    %iota3A_313 = tpu.iota {dimensions = array<i32: 0>} : vector<128x1xi32>
    %convert_element_type3A_314 = arith.sitofp %iota3A_313 : vector<128x1xi32> to vector<128x1xf32>
    %broadcast_in_dim3A_315 = arith.constant 0.000000e+00 : f32
    %broadcast_in_dim3A_316 = vector.broadcast %broadcast_in_dim3A_315 : f32 to vector<128x8xf32>
    %broadcast_in_dim3A_317 = arith.constant 0.000000e+00 : f32
    %broadcast_in_dim3A_318 = vector.broadcast %broadcast_in_dim3A_317 : f32 to vector<128x1xf32>
    %slice3A_319 = vector.extract_strided_slice %convert_element_type3A_304 {offsets = [0, 0], sizes = [1, 128], strides = [1, 1]} : vector<1x2048xf32> to vector<1x128xf32>
    %slice3A_320 = vector.extract_strided_slice %convert_element_type3A_306 {offsets = [0, 0], sizes = [1, 128], strides = [1, 1]} : vector<1x2048xf32> to vector<1x128xf32>
    %dot_general3A_321 = arith.constant dense<0.000000e+00> : vector<1x128xf32>
    %dot_general3A_322 = tpu.matmul %slice3A_319, %convert_element_type3A_312, %dot_general3A_321 {dimension_numbers = #tpu.dot_dimension_numbers<[1], [0], [0], [1], [0, 0, 1, 1], [], []>, transpose_lhs_hint = false} : vector<1x128xf32>, vector<128x128xf32>, vector<1x128xf32> -> vector<1x128xf32>
    %add3A_323 = arith.constant 0.000000e+00 : f32
    %add3A_324 = vector.broadcast %add3A_323 : f32 to vector<1x128xf32>
    %add3A_325 = arith.addf %dot_general3A_322, %add3A_324 : vector<1x128xf32>
    %dot_general3A_326 = arith.constant dense<0.000000e+00> : vector<1x128xf32>
    %dot_general3A_327 = tpu.matmul %slice3A_320, %convert_element_type3A_312, %dot_general3A_326 {dimension_numbers = #tpu.dot_dimension_numbers<[1], [0], [0], [1], [0, 0, 1, 1], [], []>, transpose_lhs_hint = false} : vector<1x128xf32>, vector<128x128xf32>, vector<1x128xf32> -> vector<1x128xf32>
    %add3A_328 = arith.constant 0.000000e+00 : f32
    %add3A_329 = vector.broadcast %add3A_328 : f32 to vector<1x128xf32>
    %add3A_330 = arith.addf %dot_general3A_327, %add3A_329 : vector<1x128xf32>
    %slice3A_331 = vector.extract_strided_slice %and3A_297 {offsets = [0, 0], sizes = [1, 128], strides = [1, 1]} : vector<1x2048xi1> to vector<1x128xi1>
    %sub3A_332 = arith.constant 1.000000e+00 : f32
    %sub3A_333 = vector.broadcast %sub3A_332 : f32 to vector<1x128xf32>
    %sub3A_334 = arith.subf %add3A_325, %sub3A_333 : vector<1x128xf32>
    %add3A_335 = vector.broadcast %reduce_sum3A_310 : f32 to vector<1x128xf32>
    %add3A_336 = arith.addf %add3A_335, %add3A_330 : vector<1x128xf32>
    %sub3A_337 = arith.constant 1.000000e+00 : f32
    %sub3A_338 = vector.broadcast %sub3A_337 : f32 to vector<1x128xf32>
    %sub3A_339 = arith.subf %add3A_336, %sub3A_338 : vector<1x128xf32>
    %select_n3A_340 = arith.select %slice3A_331, %sub3A_334, %sub3A_339 : vector<1x128xi1>, vector<1x128xf32>
    %slice3A_341 = vector.extract_strided_slice %lt3A_293 {offsets = [0, 0], sizes = [1, 128], strides = [1, 1]} : vector<1x2048xi1> to vector<1x128xi1>
    %jit3A_342 = arith.constant 1.000000e+06 : f32
    %broadcast_in_dim3A_343 = vector.broadcast %jit3A_342 : f32 to vector<1x128xf32>
    %select_n3A_344 = arith.select %slice3A_341, %select_n3A_340, %broadcast_in_dim3A_343 : vector<1x128xi1>, vector<1x128xf32>
    %eq3A = vector.broadcast %select_n3A_344 : vector<1x128xf32> to vector<128x128xf32>
    %eq3A_345 = vector.broadcast %convert_element_type3A_314 : vector<128x1xf32> to vector<128x128xf32>
    %eq3A_346 = arith.cmpf oeq, %eq3A, %eq3A_345 : vector<128x128xf32>
    %convert_element_type3A_347 = arith.extui %eq3A_346 : vector<128x128xi1> to vector<128x128xi32>
    %convert_element_type3A_348 = arith.sitofp %convert_element_type3A_347 : vector<128x128xi32> to vector<128x128xf32>
    %slice3A_349 = vector.extract_strided_slice %get3A_1 {offsets = [0, 0], sizes = [128, 8], strides = [1, 1]} : vector<2048x8xf32> to vector<128x8xf32>
    %dot_general3A_350 = arith.constant dense<0.000000e+00> : vector<128x8xf32>
    %dot_general3A_351 = tpu.matmul %convert_element_type3A_348, %slice3A_349, %dot_general3A_350 {dimension_numbers = #tpu.dot_dimension_numbers<[1], [0], [0], [1], [0, 0, 1, 1], [], []>, transpose_lhs_hint = false} : vector<128x128xf32>, vector<128x8xf32>, vector<128x8xf32> -> vector<128x8xf32>
    %add3A_352 = arith.addf %broadcast_in_dim3A_316, %dot_general3A_351 : vector<128x8xf32>
    %slice3A_353 = vector.extract_strided_slice %select_n3A_302 {offsets = [0, 0], sizes = [1, 128], strides = [1, 1]} : vector<1x2048xf32> to vector<1x128xf32>
    %jit3A_354 = arith.constant 0.000000e+00 : f32
    %broadcast_in_dim3A_355 = vector.shape_cast %slice3A_353 : vector<1x128xf32> to vector<1x128xf32>
    %broadcast_in_dim3A_356 = vector.broadcast %broadcast_in_dim3A_355 : vector<1x128xf32> to vector<128x128xf32>
    %broadcast_in_dim3A_357 = vector.broadcast %jit3A_354 : f32 to vector<128x128xf32>
    %select_n3A_358 = arith.select %eq3A_346, %broadcast_in_dim3A_356, %broadcast_in_dim3A_357 : vector<128x128xi1>, vector<128x128xf32>
    %reduce_sum3A_359 = arith.constant dense<0.000000e+00> : vector<128xf32>
    %reduce_sum3A_360 = vector.multi_reduction <add>, %select_n3A_358, %reduce_sum3A_359 [1] : vector<128x128xf32> to vector<128xf32>
    %broadcast_in_dim3A_361 = vector.shape_cast %reduce_sum3A_360 : vector<128xf32> to vector<128x1xf32>
    %add3A_362 = arith.addf %broadcast_in_dim3A_318, %broadcast_in_dim3A_361 : vector<128x1xf32>
    %reduce_sum3A_363 = vector.shape_cast %slice3A_319 : vector<1x128xf32> to vector<1x1x128xf32>
    %reduce_sum3A_364 = arith.constant dense<0.000000e+00> : vector<1xf32>
    %reduce_sum3A_365 = vector.multi_reduction <add>, %reduce_sum3A_363, %reduce_sum3A_364 [1, 2] : vector<1x1x128xf32> to vector<1xf32>
    %reduce_sum3A_366 = vector.shape_cast %reduce_sum3A_365 : vector<1xf32> to vector<1x1x1xf32>
    %reduce_sum3A_367 = vector.extract %reduce_sum3A_366[0, 0, 0] : f32 from vector<1x1x1xf32>
    %add3A_368 = arith.constant 0.000000e+00 : f32
    %add3A_369 = arith.addf %add3A_368, %reduce_sum3A_367 : f32
    %reduce_sum3A_370 = vector.shape_cast %slice3A_320 : vector<1x128xf32> to vector<1x1x128xf32>
    %reduce_sum3A_371 = arith.constant dense<0.000000e+00> : vector<1xf32>
    %reduce_sum3A_372 = vector.multi_reduction <add>, %reduce_sum3A_370, %reduce_sum3A_371 [1, 2] : vector<1x1x128xf32> to vector<1xf32>
    %reduce_sum3A_373 = vector.shape_cast %reduce_sum3A_372 : vector<1xf32> to vector<1x1x1xf32>
    %reduce_sum3A_374 = vector.extract %reduce_sum3A_373[0, 0, 0] : f32 from vector<1x1x1xf32>
    %add3A_375 = arith.constant 0.000000e+00 : f32
    %add3A_376 = arith.addf %add3A_375, %reduce_sum3A_374 : f32
    %slice3A_377 = vector.extract_strided_slice %convert_element_type3A_304 {offsets = [0, 128], sizes = [1, 128], strides = [1, 1]} : vector<1x2048xf32> to vector<1x128xf32>
    %slice3A_378 = vector.extract_strided_slice %convert_element_type3A_306 {offsets = [0, 128], sizes = [1, 128], strides = [1, 1]} : vector<1x2048xf32> to vector<1x128xf32>
    %dot_general3A_379 = arith.constant dense<0.000000e+00> : vector<1x128xf32>
    %dot_general3A_380 = tpu.matmul %slice3A_377, %convert_element_type3A_312, %dot_general3A_379 {dimension_numbers = #tpu.dot_dimension_numbers<[1], [0], [0], [1], [0, 0, 1, 1], [], []>, transpose_lhs_hint = false} : vector<1x128xf32>, vector<128x128xf32>, vector<1x128xf32> -> vector<1x128xf32>
    %add3A_381 = vector.broadcast %add3A_369 : f32 to vector<1x128xf32>
    %add3A_382 = arith.addf %dot_general3A_380, %add3A_381 : vector<1x128xf32>
    %dot_general3A_383 = arith.constant dense<0.000000e+00> : vector<1x128xf32>
    %dot_general3A_384 = tpu.matmul %slice3A_378, %convert_element_type3A_312, %dot_general3A_383 {dimension_numbers = #tpu.dot_dimension_numbers<[1], [0], [0], [1], [0, 0, 1, 1], [], []>, transpose_lhs_hint = false} : vector<1x128xf32>, vector<128x128xf32>, vector<1x128xf32> -> vector<1x128xf32>
    %add3A_385 = vector.broadcast %add3A_376 : f32 to vector<1x128xf32>
    %add3A_386 = arith.addf %dot_general3A_384, %add3A_385 : vector<1x128xf32>
    %slice3A_387 = vector.extract_strided_slice %and3A_297 {offsets = [0, 128], sizes = [1, 128], strides = [1, 1]} : vector<1x2048xi1> to vector<1x128xi1>
    %sub3A_388 = arith.constant 1.000000e+00 : f32
    %sub3A_389 = vector.broadcast %sub3A_388 : f32 to vector<1x128xf32>
    %sub3A_390 = arith.subf %add3A_382, %sub3A_389 : vector<1x128xf32>
    %add3A_391 = vector.broadcast %reduce_sum3A_310 : f32 to vector<1x128xf32>
    %add3A_392 = arith.addf %add3A_391, %add3A_386 : vector<1x128xf32>
    %sub3A_393 = arith.constant 1.000000e+00 : f32
    %sub3A_394 = vector.broadcast %sub3A_393 : f32 to vector<1x128xf32>
    %sub3A_395 = arith.subf %add3A_392, %sub3A_394 : vector<1x128xf32>
    %select_n3A_396 = arith.select %slice3A_387, %sub3A_390, %sub3A_395 : vector<1x128xi1>, vector<1x128xf32>
    %slice3A_397 = vector.extract_strided_slice %lt3A_293 {offsets = [0, 128], sizes = [1, 128], strides = [1, 1]} : vector<1x2048xi1> to vector<1x128xi1>
    %jit3A_398 = arith.constant 1.000000e+06 : f32
    %broadcast_in_dim3A_399 = vector.broadcast %jit3A_398 : f32 to vector<1x128xf32>
    %select_n3A_400 = arith.select %slice3A_397, %select_n3A_396, %broadcast_in_dim3A_399 : vector<1x128xi1>, vector<1x128xf32>
    %eq3A_401 = vector.broadcast %select_n3A_400 : vector<1x128xf32> to vector<128x128xf32>
    %eq3A_402 = vector.broadcast %convert_element_type3A_314 : vector<128x1xf32> to vector<128x128xf32>
    %eq3A_403 = arith.cmpf oeq, %eq3A_401, %eq3A_402 : vector<128x128xf32>
    %convert_element_type3A_404 = arith.extui %eq3A_403 : vector<128x128xi1> to vector<128x128xi32>
    %convert_element_type3A_405 = arith.sitofp %convert_element_type3A_404 : vector<128x128xi32> to vector<128x128xf32>
    %slice3A_406 = vector.extract_strided_slice %get3A_1 {offsets = [128, 0], sizes = [128, 8], strides = [1, 1]} : vector<2048x8xf32> to vector<128x8xf32>
    %dot_general3A_407 = arith.constant dense<0.000000e+00> : vector<128x8xf32>
    %dot_general3A_408 = tpu.matmul %convert_element_type3A_405, %slice3A_406, %dot_general3A_407 {dimension_numbers = #tpu.dot_dimension_numbers<[1], [0], [0], [1], [0, 0, 1, 1], [], []>, transpose_lhs_hint = false} : vector<128x128xf32>, vector<128x8xf32>, vector<128x8xf32> -> vector<128x8xf32>
    %add3A_409 = arith.addf %add3A_352, %dot_general3A_408 : vector<128x8xf32>
    %slice3A_410 = vector.extract_strided_slice %select_n3A_302 {offsets = [0, 128], sizes = [1, 128], strides = [1, 1]} : vector<1x2048xf32> to vector<1x128xf32>
    %jit3A_411 = arith.constant 0.000000e+00 : f32
    %broadcast_in_dim3A_412 = vector.shape_cast %slice3A_410 : vector<1x128xf32> to vector<1x128xf32>
    %broadcast_in_dim3A_413 = vector.broadcast %broadcast_in_dim3A_412 : vector<1x128xf32> to vector<128x128xf32>
    %broadcast_in_dim3A_414 = vector.broadcast %jit3A_411 : f32 to vector<128x128xf32>
    %select_n3A_415 = arith.select %eq3A_403, %broadcast_in_dim3A_413, %broadcast_in_dim3A_414 : vector<128x128xi1>, vector<128x128xf32>
    %reduce_sum3A_416 = arith.constant dense<0.000000e+00> : vector<128xf32>
    %reduce_sum3A_417 = vector.multi_reduction <add>, %select_n3A_415, %reduce_sum3A_416 [1] : vector<128x128xf32> to vector<128xf32>
    %broadcast_in_dim3A_418 = vector.shape_cast %reduce_sum3A_417 : vector<128xf32> to vector<128x1xf32>
    %add3A_419 = arith.addf %add3A_362, %broadcast_in_dim3A_418 : vector<128x1xf32>
    %reduce_sum3A_420 = vector.shape_cast %slice3A_377 : vector<1x128xf32> to vector<1x1x128xf32>
    %reduce_sum3A_421 = arith.constant dense<0.000000e+00> : vector<1xf32>
    %reduce_sum3A_422 = vector.multi_reduction <add>, %reduce_sum3A_420, %reduce_sum3A_421 [1, 2] : vector<1x1x128xf32> to vector<1xf32>
    %reduce_sum3A_423 = vector.shape_cast %reduce_sum3A_422 : vector<1xf32> to vector<1x1x1xf32>
    %reduce_sum3A_424 = vector.extract %reduce_sum3A_423[0, 0, 0] : f32 from vector<1x1x1xf32>
    %add3A_425 = arith.addf %add3A_369, %reduce_sum3A_424 : f32
    %reduce_sum3A_426 = vector.shape_cast %slice3A_378 : vector<1x128xf32> to vector<1x1x128xf32>
    %reduce_sum3A_427 = arith.constant dense<0.000000e+00> : vector<1xf32>
    %reduce_sum3A_428 = vector.multi_reduction <add>, %reduce_sum3A_426, %reduce_sum3A_427 [1, 2] : vector<1x1x128xf32> to vector<1xf32>
    %reduce_sum3A_429 = vector.shape_cast %reduce_sum3A_428 : vector<1xf32> to vector<1x1x1xf32>
    %reduce_sum3A_430 = vector.extract %reduce_sum3A_429[0, 0, 0] : f32 from vector<1x1x1xf32>
    %add3A_431 = arith.addf %add3A_376, %reduce_sum3A_430 : f32
    %slice3A_432 = vector.extract_strided_slice %convert_element_type3A_304 {offsets = [0, 256], sizes = [1, 128], strides = [1, 1]} : vector<1x2048xf32> to vector<1x128xf32>
    %slice3A_433 = vector.extract_strided_slice %convert_element_type3A_306 {offsets = [0, 256], sizes = [1, 128], strides = [1, 1]} : vector<1x2048xf32> to vector<1x128xf32>
    %dot_general3A_434 = arith.constant dense<0.000000e+00> : vector<1x128xf32>
    %dot_general3A_435 = tpu.matmul %slice3A_432, %convert_element_type3A_312, %dot_general3A_434 {dimension_numbers = #tpu.dot_dimension_numbers<[1], [0], [0], [1], [0, 0, 1, 1], [], []>, transpose_lhs_hint = false} : vector<1x128xf32>, vector<128x128xf32>, vector<1x128xf32> -> vector<1x128xf32>
    %add3A_436 = vector.broadcast %add3A_425 : f32 to vector<1x128xf32>
    %add3A_437 = arith.addf %dot_general3A_435, %add3A_436 : vector<1x128xf32>
    %dot_general3A_438 = arith.constant dense<0.000000e+00> : vector<1x128xf32>
    %dot_general3A_439 = tpu.matmul %slice3A_433, %convert_element_type3A_312, %dot_general3A_438 {dimension_numbers = #tpu.dot_dimension_numbers<[1], [0], [0], [1], [0, 0, 1, 1], [], []>, transpose_lhs_hint = false} : vector<1x128xf32>, vector<128x128xf32>, vector<1x128xf32> -> vector<1x128xf32>
    %add3A_440 = vector.broadcast %add3A_431 : f32 to vector<1x128xf32>
    %add3A_441 = arith.addf %dot_general3A_439, %add3A_440 : vector<1x128xf32>
    %slice3A_442 = vector.extract_strided_slice %and3A_297 {offsets = [0, 256], sizes = [1, 128], strides = [1, 1]} : vector<1x2048xi1> to vector<1x128xi1>
    %sub3A_443 = arith.constant 1.000000e+00 : f32
    %sub3A_444 = vector.broadcast %sub3A_443 : f32 to vector<1x128xf32>
    %sub3A_445 = arith.subf %add3A_437, %sub3A_444 : vector<1x128xf32>
    %add3A_446 = vector.broadcast %reduce_sum3A_310 : f32 to vector<1x128xf32>
    %add3A_447 = arith.addf %add3A_446, %add3A_441 : vector<1x128xf32>
    %sub3A_448 = arith.constant 1.000000e+00 : f32
    %sub3A_449 = vector.broadcast %sub3A_448 : f32 to vector<1x128xf32>
    %sub3A_450 = arith.subf %add3A_447, %sub3A_449 : vector<1x128xf32>
    %select_n3A_451 = arith.select %slice3A_442, %sub3A_445, %sub3A_450 : vector<1x128xi1>, vector<1x128xf32>
    %slice3A_452 = vector.extract_strided_slice %lt3A_293 {offsets = [0, 256], sizes = [1, 128], strides = [1, 1]} : vector<1x2048xi1> to vector<1x128xi1>
    %jit3A_453 = arith.constant 1.000000e+06 : f32
    %broadcast_in_dim3A_454 = vector.broadcast %jit3A_453 : f32 to vector<1x128xf32>
    %select_n3A_455 = arith.select %slice3A_452, %select_n3A_451, %broadcast_in_dim3A_454 : vector<1x128xi1>, vector<1x128xf32>
    %eq3A_456 = vector.broadcast %select_n3A_455 : vector<1x128xf32> to vector<128x128xf32>
    %eq3A_457 = vector.broadcast %convert_element_type3A_314 : vector<128x1xf32> to vector<128x128xf32>
    %eq3A_458 = arith.cmpf oeq, %eq3A_456, %eq3A_457 : vector<128x128xf32>
    %convert_element_type3A_459 = arith.extui %eq3A_458 : vector<128x128xi1> to vector<128x128xi32>
    %convert_element_type3A_460 = arith.sitofp %convert_element_type3A_459 : vector<128x128xi32> to vector<128x128xf32>
    %slice3A_461 = vector.extract_strided_slice %get3A_1 {offsets = [256, 0], sizes = [128, 8], strides = [1, 1]} : vector<2048x8xf32> to vector<128x8xf32>
    %dot_general3A_462 = arith.constant dense<0.000000e+00> : vector<128x8xf32>
    %dot_general3A_463 = tpu.matmul %convert_element_type3A_460, %slice3A_461, %dot_general3A_462 {dimension_numbers = #tpu.dot_dimension_numbers<[1], [0], [0], [1], [0, 0, 1, 1], [], []>, transpose_lhs_hint = false} : vector<128x128xf32>, vector<128x8xf32>, vector<128x8xf32> -> vector<128x8xf32>
    %add3A_464 = arith.addf %add3A_409, %dot_general3A_463 : vector<128x8xf32>
    %slice3A_465 = vector.extract_strided_slice %select_n3A_302 {offsets = [0, 256], sizes = [1, 128], strides = [1, 1]} : vector<1x2048xf32> to vector<1x128xf32>
    %jit3A_466 = arith.constant 0.000000e+00 : f32
    %broadcast_in_dim3A_467 = vector.shape_cast %slice3A_465 : vector<1x128xf32> to vector<1x128xf32>
    %broadcast_in_dim3A_468 = vector.broadcast %broadcast_in_dim3A_467 : vector<1x128xf32> to vector<128x128xf32>
    %broadcast_in_dim3A_469 = vector.broadcast %jit3A_466 : f32 to vector<128x128xf32>
    %select_n3A_470 = arith.select %eq3A_458, %broadcast_in_dim3A_468, %broadcast_in_dim3A_469 : vector<128x128xi1>, vector<128x128xf32>
    %reduce_sum3A_471 = arith.constant dense<0.000000e+00> : vector<128xf32>
    %reduce_sum3A_472 = vector.multi_reduction <add>, %select_n3A_470, %reduce_sum3A_471 [1] : vector<128x128xf32> to vector<128xf32>
    %broadcast_in_dim3A_473 = vector.shape_cast %reduce_sum3A_472 : vector<128xf32> to vector<128x1xf32>
    %add3A_474 = arith.addf %add3A_419, %broadcast_in_dim3A_473 : vector<128x1xf32>
    %reduce_sum3A_475 = vector.shape_cast %slice3A_432 : vector<1x128xf32> to vector<1x1x128xf32>
    %reduce_sum3A_476 = arith.constant dense<0.000000e+00> : vector<1xf32>
    %reduce_sum3A_477 = vector.multi_reduction <add>, %reduce_sum3A_475, %reduce_sum3A_476 [1, 2] : vector<1x1x128xf32> to vector<1xf32>
    %reduce_sum3A_478 = vector.shape_cast %reduce_sum3A_477 : vector<1xf32> to vector<1x1x1xf32>
    %reduce_sum3A_479 = vector.extract %reduce_sum3A_478[0, 0, 0] : f32 from vector<1x1x1xf32>
    %add3A_480 = arith.addf %add3A_425, %reduce_sum3A_479 : f32
    %reduce_sum3A_481 = vector.shape_cast %slice3A_433 : vector<1x128xf32> to vector<1x1x128xf32>
    %reduce_sum3A_482 = arith.constant dense<0.000000e+00> : vector<1xf32>
    %reduce_sum3A_483 = vector.multi_reduction <add>, %reduce_sum3A_481, %reduce_sum3A_482 [1, 2] : vector<1x1x128xf32> to vector<1xf32>
    %reduce_sum3A_484 = vector.shape_cast %reduce_sum3A_483 : vector<1xf32> to vector<1x1x1xf32>
    %reduce_sum3A_485 = vector.extract %reduce_sum3A_484[0, 0, 0] : f32 from vector<1x1x1xf32>
    %add3A_486 = arith.addf %add3A_431, %reduce_sum3A_485 : f32
    %slice3A_487 = vector.extract_strided_slice %convert_element_type3A_304 {offsets = [0, 384], sizes = [1, 128], strides = [1, 1]} : vector<1x2048xf32> to vector<1x128xf32>
    %slice3A_488 = vector.extract_strided_slice %convert_element_type3A_306 {offsets = [0, 384], sizes = [1, 128], strides = [1, 1]} : vector<1x2048xf32> to vector<1x128xf32>
    %dot_general3A_489 = arith.constant dense<0.000000e+00> : vector<1x128xf32>
    %dot_general3A_490 = tpu.matmul %slice3A_487, %convert_element_type3A_312, %dot_general3A_489 {dimension_numbers = #tpu.dot_dimension_numbers<[1], [0], [0], [1], [0, 0, 1, 1], [], []>, transpose_lhs_hint = false} : vector<1x128xf32>, vector<128x128xf32>, vector<1x128xf32> -> vector<1x128xf32>
    %add3A_491 = vector.broadcast %add3A_480 : f32 to vector<1x128xf32>
    %add3A_492 = arith.addf %dot_general3A_490, %add3A_491 : vector<1x128xf32>
    %dot_general3A_493 = arith.constant dense<0.000000e+00> : vector<1x128xf32>
    %dot_general3A_494 = tpu.matmul %slice3A_488, %convert_element_type3A_312, %dot_general3A_493 {dimension_numbers = #tpu.dot_dimension_numbers<[1], [0], [0], [1], [0, 0, 1, 1], [], []>, transpose_lhs_hint = false} : vector<1x128xf32>, vector<128x128xf32>, vector<1x128xf32> -> vector<1x128xf32>
    %add3A_495 = vector.broadcast %add3A_486 : f32 to vector<1x128xf32>
    %add3A_496 = arith.addf %dot_general3A_494, %add3A_495 : vector<1x128xf32>
    %slice3A_497 = vector.extract_strided_slice %and3A_297 {offsets = [0, 384], sizes = [1, 128], strides = [1, 1]} : vector<1x2048xi1> to vector<1x128xi1>
    %sub3A_498 = arith.constant 1.000000e+00 : f32
    %sub3A_499 = vector.broadcast %sub3A_498 : f32 to vector<1x128xf32>
    %sub3A_500 = arith.subf %add3A_492, %sub3A_499 : vector<1x128xf32>
    %add3A_501 = vector.broadcast %reduce_sum3A_310 : f32 to vector<1x128xf32>
    %add3A_502 = arith.addf %add3A_501, %add3A_496 : vector<1x128xf32>
    %sub3A_503 = arith.constant 1.000000e+00 : f32
    %sub3A_504 = vector.broadcast %sub3A_503 : f32 to vector<1x128xf32>
    %sub3A_505 = arith.subf %add3A_502, %sub3A_504 : vector<1x128xf32>
    %select_n3A_506 = arith.select %slice3A_497, %sub3A_500, %sub3A_505 : vector<1x128xi1>, vector<1x128xf32>
    %slice3A_507 = vector.extract_strided_slice %lt3A_293 {offsets = [0, 384], sizes = [1, 128], strides = [1, 1]} : vector<1x2048xi1> to vector<1x128xi1>
    %jit3A_508 = arith.constant 1.000000e+06 : f32
    %broadcast_in_dim3A_509 = vector.broadcast %jit3A_508 : f32 to vector<1x128xf32>
    %select_n3A_510 = arith.select %slice3A_507, %select_n3A_506, %broadcast_in_dim3A_509 : vector<1x128xi1>, vector<1x128xf32>
    %eq3A_511 = vector.broadcast %select_n3A_510 : vector<1x128xf32> to vector<128x128xf32>
    %eq3A_512 = vector.broadcast %convert_element_type3A_314 : vector<128x1xf32> to vector<128x128xf32>
    %eq3A_513 = arith.cmpf oeq, %eq3A_511, %eq3A_512 : vector<128x128xf32>
    %convert_element_type3A_514 = arith.extui %eq3A_513 : vector<128x128xi1> to vector<128x128xi32>
    %convert_element_type3A_515 = arith.sitofp %convert_element_type3A_514 : vector<128x128xi32> to vector<128x128xf32>
    %slice3A_516 = vector.extract_strided_slice %get3A_1 {offsets = [384, 0], sizes = [128, 8], strides = [1, 1]} : vector<2048x8xf32> to vector<128x8xf32>
    %dot_general3A_517 = arith.constant dense<0.000000e+00> : vector<128x8xf32>
    %dot_general3A_518 = tpu.matmul %convert_element_type3A_515, %slice3A_516, %dot_general3A_517 {dimension_numbers = #tpu.dot_dimension_numbers<[1], [0], [0], [1], [0, 0, 1, 1], [], []>, transpose_lhs_hint = false} : vector<128x128xf32>, vector<128x8xf32>, vector<128x8xf32> -> vector<128x8xf32>
    %add3A_519 = arith.addf %add3A_464, %dot_general3A_518 : vector<128x8xf32>
    %slice3A_520 = vector.extract_strided_slice %select_n3A_302 {offsets = [0, 384], sizes = [1, 128], strides = [1, 1]} : vector<1x2048xf32> to vector<1x128xf32>
    %jit3A_521 = arith.constant 0.000000e+00 : f32
    %broadcast_in_dim3A_522 = vector.shape_cast %slice3A_520 : vector<1x128xf32> to vector<1x128xf32>
    %broadcast_in_dim3A_523 = vector.broadcast %broadcast_in_dim3A_522 : vector<1x128xf32> to vector<128x128xf32>
    %broadcast_in_dim3A_524 = vector.broadcast %jit3A_521 : f32 to vector<128x128xf32>
    %select_n3A_525 = arith.select %eq3A_513, %broadcast_in_dim3A_523, %broadcast_in_dim3A_524 : vector<128x128xi1>, vector<128x128xf32>
    %reduce_sum3A_526 = arith.constant dense<0.000000e+00> : vector<128xf32>
    %reduce_sum3A_527 = vector.multi_reduction <add>, %select_n3A_525, %reduce_sum3A_526 [1] : vector<128x128xf32> to vector<128xf32>
    %broadcast_in_dim3A_528 = vector.shape_cast %reduce_sum3A_527 : vector<128xf32> to vector<128x1xf32>
    %add3A_529 = arith.addf %add3A_474, %broadcast_in_dim3A_528 : vector<128x1xf32>
    %reduce_sum3A_530 = vector.shape_cast %slice3A_487 : vector<1x128xf32> to vector<1x1x128xf32>
    %reduce_sum3A_531 = arith.constant dense<0.000000e+00> : vector<1xf32>
    %reduce_sum3A_532 = vector.multi_reduction <add>, %reduce_sum3A_530, %reduce_sum3A_531 [1, 2] : vector<1x1x128xf32> to vector<1xf32>
    %reduce_sum3A_533 = vector.shape_cast %reduce_sum3A_532 : vector<1xf32> to vector<1x1x1xf32>
    %reduce_sum3A_534 = vector.extract %reduce_sum3A_533[0, 0, 0] : f32 from vector<1x1x1xf32>
    %add3A_535 = arith.addf %add3A_480, %reduce_sum3A_534 : f32
    %reduce_sum3A_536 = vector.shape_cast %slice3A_488 : vector<1x128xf32> to vector<1x1x128xf32>
    %reduce_sum3A_537 = arith.constant dense<0.000000e+00> : vector<1xf32>
    %reduce_sum3A_538 = vector.multi_reduction <add>, %reduce_sum3A_536, %reduce_sum3A_537 [1, 2] : vector<1x1x128xf32> to vector<1xf32>
    %reduce_sum3A_539 = vector.shape_cast %reduce_sum3A_538 : vector<1xf32> to vector<1x1x1xf32>
    %reduce_sum3A_540 = vector.extract %reduce_sum3A_539[0, 0, 0] : f32 from vector<1x1x1xf32>
    %add3A_541 = arith.addf %add3A_486, %reduce_sum3A_540 : f32
    %slice3A_542 = vector.extract_strided_slice %convert_element_type3A_304 {offsets = [0, 512], sizes = [1, 128], strides = [1, 1]} : vector<1x2048xf32> to vector<1x128xf32>
    %slice3A_543 = vector.extract_strided_slice %convert_element_type3A_306 {offsets = [0, 512], sizes = [1, 128], strides = [1, 1]} : vector<1x2048xf32> to vector<1x128xf32>
    %dot_general3A_544 = arith.constant dense<0.000000e+00> : vector<1x128xf32>
    %dot_general3A_545 = tpu.matmul %slice3A_542, %convert_element_type3A_312, %dot_general3A_544 {dimension_numbers = #tpu.dot_dimension_numbers<[1], [0], [0], [1], [0, 0, 1, 1], [], []>, transpose_lhs_hint = false} : vector<1x128xf32>, vector<128x128xf32>, vector<1x128xf32> -> vector<1x128xf32>
    %add3A_546 = vector.broadcast %add3A_535 : f32 to vector<1x128xf32>
    %add3A_547 = arith.addf %dot_general3A_545, %add3A_546 : vector<1x128xf32>
    %dot_general3A_548 = arith.constant dense<0.000000e+00> : vector<1x128xf32>
    %dot_general3A_549 = tpu.matmul %slice3A_543, %convert_element_type3A_312, %dot_general3A_548 {dimension_numbers = #tpu.dot_dimension_numbers<[1], [0], [0], [1], [0, 0, 1, 1], [], []>, transpose_lhs_hint = false} : vector<1x128xf32>, vector<128x128xf32>, vector<1x128xf32> -> vector<1x128xf32>
    %add3A_550 = vector.broadcast %add3A_541 : f32 to vector<1x128xf32>
    %add3A_551 = arith.addf %dot_general3A_549, %add3A_550 : vector<1x128xf32>
    %slice3A_552 = vector.extract_strided_slice %and3A_297 {offsets = [0, 512], sizes = [1, 128], strides = [1, 1]} : vector<1x2048xi1> to vector<1x128xi1>
    %sub3A_553 = arith.constant 1.000000e+00 : f32
    %sub3A_554 = vector.broadcast %sub3A_553 : f32 to vector<1x128xf32>
    %sub3A_555 = arith.subf %add3A_547, %sub3A_554 : vector<1x128xf32>
    %add3A_556 = vector.broadcast %reduce_sum3A_310 : f32 to vector<1x128xf32>
    %add3A_557 = arith.addf %add3A_556, %add3A_551 : vector<1x128xf32>
    %sub3A_558 = arith.constant 1.000000e+00 : f32
    %sub3A_559 = vector.broadcast %sub3A_558 : f32 to vector<1x128xf32>
    %sub3A_560 = arith.subf %add3A_557, %sub3A_559 : vector<1x128xf32>
    %select_n3A_561 = arith.select %slice3A_552, %sub3A_555, %sub3A_560 : vector<1x128xi1>, vector<1x128xf32>
    %slice3A_562 = vector.extract_strided_slice %lt3A_293 {offsets = [0, 512], sizes = [1, 128], strides = [1, 1]} : vector<1x2048xi1> to vector<1x128xi1>
    %jit3A_563 = arith.constant 1.000000e+06 : f32
    %broadcast_in_dim3A_564 = vector.broadcast %jit3A_563 : f32 to vector<1x128xf32>
    %select_n3A_565 = arith.select %slice3A_562, %select_n3A_561, %broadcast_in_dim3A_564 : vector<1x128xi1>, vector<1x128xf32>
    %eq3A_566 = vector.broadcast %select_n3A_565 : vector<1x128xf32> to vector<128x128xf32>
    %eq3A_567 = vector.broadcast %convert_element_type3A_314 : vector<128x1xf32> to vector<128x128xf32>
    %eq3A_568 = arith.cmpf oeq, %eq3A_566, %eq3A_567 : vector<128x128xf32>
    %convert_element_type3A_569 = arith.extui %eq3A_568 : vector<128x128xi1> to vector<128x128xi32>
    %convert_element_type3A_570 = arith.sitofp %convert_element_type3A_569 : vector<128x128xi32> to vector<128x128xf32>
    %slice3A_571 = vector.extract_strided_slice %get3A_1 {offsets = [512, 0], sizes = [128, 8], strides = [1, 1]} : vector<2048x8xf32> to vector<128x8xf32>
    %dot_general3A_572 = arith.constant dense<0.000000e+00> : vector<128x8xf32>
    %dot_general3A_573 = tpu.matmul %convert_element_type3A_570, %slice3A_571, %dot_general3A_572 {dimension_numbers = #tpu.dot_dimension_numbers<[1], [0], [0], [1], [0, 0, 1, 1], [], []>, transpose_lhs_hint = false} : vector<128x128xf32>, vector<128x8xf32>, vector<128x8xf32> -> vector<128x8xf32>
    %add3A_574 = arith.addf %add3A_519, %dot_general3A_573 : vector<128x8xf32>
    %slice3A_575 = vector.extract_strided_slice %select_n3A_302 {offsets = [0, 512], sizes = [1, 128], strides = [1, 1]} : vector<1x2048xf32> to vector<1x128xf32>
    %jit3A_576 = arith.constant 0.000000e+00 : f32
    %broadcast_in_dim3A_577 = vector.shape_cast %slice3A_575 : vector<1x128xf32> to vector<1x128xf32>
    %broadcast_in_dim3A_578 = vector.broadcast %broadcast_in_dim3A_577 : vector<1x128xf32> to vector<128x128xf32>
    %broadcast_in_dim3A_579 = vector.broadcast %jit3A_576 : f32 to vector<128x128xf32>
    %select_n3A_580 = arith.select %eq3A_568, %broadcast_in_dim3A_578, %broadcast_in_dim3A_579 : vector<128x128xi1>, vector<128x128xf32>
    %reduce_sum3A_581 = arith.constant dense<0.000000e+00> : vector<128xf32>
    %reduce_sum3A_582 = vector.multi_reduction <add>, %select_n3A_580, %reduce_sum3A_581 [1] : vector<128x128xf32> to vector<128xf32>
    %broadcast_in_dim3A_583 = vector.shape_cast %reduce_sum3A_582 : vector<128xf32> to vector<128x1xf32>
    %add3A_584 = arith.addf %add3A_529, %broadcast_in_dim3A_583 : vector<128x1xf32>
    %reduce_sum3A_585 = vector.shape_cast %slice3A_542 : vector<1x128xf32> to vector<1x1x128xf32>
    %reduce_sum3A_586 = arith.constant dense<0.000000e+00> : vector<1xf32>
    %reduce_sum3A_587 = vector.multi_reduction <add>, %reduce_sum3A_585, %reduce_sum3A_586 [1, 2] : vector<1x1x128xf32> to vector<1xf32>
    %reduce_sum3A_588 = vector.shape_cast %reduce_sum3A_587 : vector<1xf32> to vector<1x1x1xf32>
    %reduce_sum3A_589 = vector.extract %reduce_sum3A_588[0, 0, 0] : f32 from vector<1x1x1xf32>
    %add3A_590 = arith.addf %add3A_535, %reduce_sum3A_589 : f32
    %reduce_sum3A_591 = vector.shape_cast %slice3A_543 : vector<1x128xf32> to vector<1x1x128xf32>
    %reduce_sum3A_592 = arith.constant dense<0.000000e+00> : vector<1xf32>
    %reduce_sum3A_593 = vector.multi_reduction <add>, %reduce_sum3A_591, %reduce_sum3A_592 [1, 2] : vector<1x1x128xf32> to vector<1xf32>
    %reduce_sum3A_594 = vector.shape_cast %reduce_sum3A_593 : vector<1xf32> to vector<1x1x1xf32>
    %reduce_sum3A_595 = vector.extract %reduce_sum3A_594[0, 0, 0] : f32 from vector<1x1x1xf32>
    %add3A_596 = arith.addf %add3A_541, %reduce_sum3A_595 : f32
    %slice3A_597 = vector.extract_strided_slice %convert_element_type3A_304 {offsets = [0, 640], sizes = [1, 128], strides = [1, 1]} : vector<1x2048xf32> to vector<1x128xf32>
    %slice3A_598 = vector.extract_strided_slice %convert_element_type3A_306 {offsets = [0, 640], sizes = [1, 128], strides = [1, 1]} : vector<1x2048xf32> to vector<1x128xf32>
    %dot_general3A_599 = arith.constant dense<0.000000e+00> : vector<1x128xf32>
    %dot_general3A_600 = tpu.matmul %slice3A_597, %convert_element_type3A_312, %dot_general3A_599 {dimension_numbers = #tpu.dot_dimension_numbers<[1], [0], [0], [1], [0, 0, 1, 1], [], []>, transpose_lhs_hint = false} : vector<1x128xf32>, vector<128x128xf32>, vector<1x128xf32> -> vector<1x128xf32>
    %add3A_601 = vector.broadcast %add3A_590 : f32 to vector<1x128xf32>
    %add3A_602 = arith.addf %dot_general3A_600, %add3A_601 : vector<1x128xf32>
    %dot_general3A_603 = arith.constant dense<0.000000e+00> : vector<1x128xf32>
    %dot_general3A_604 = tpu.matmul %slice3A_598, %convert_element_type3A_312, %dot_general3A_603 {dimension_numbers = #tpu.dot_dimension_numbers<[1], [0], [0], [1], [0, 0, 1, 1], [], []>, transpose_lhs_hint = false} : vector<1x128xf32>, vector<128x128xf32>, vector<1x128xf32> -> vector<1x128xf32>
    %add3A_605 = vector.broadcast %add3A_596 : f32 to vector<1x128xf32>
    %add3A_606 = arith.addf %dot_general3A_604, %add3A_605 : vector<1x128xf32>
    %slice3A_607 = vector.extract_strided_slice %and3A_297 {offsets = [0, 640], sizes = [1, 128], strides = [1, 1]} : vector<1x2048xi1> to vector<1x128xi1>
    %sub3A_608 = arith.constant 1.000000e+00 : f32
    %sub3A_609 = vector.broadcast %sub3A_608 : f32 to vector<1x128xf32>
    %sub3A_610 = arith.subf %add3A_602, %sub3A_609 : vector<1x128xf32>
    %add3A_611 = vector.broadcast %reduce_sum3A_310 : f32 to vector<1x128xf32>
    %add3A_612 = arith.addf %add3A_611, %add3A_606 : vector<1x128xf32>
    %sub3A_613 = arith.constant 1.000000e+00 : f32
    %sub3A_614 = vector.broadcast %sub3A_613 : f32 to vector<1x128xf32>
    %sub3A_615 = arith.subf %add3A_612, %sub3A_614 : vector<1x128xf32>
    %select_n3A_616 = arith.select %slice3A_607, %sub3A_610, %sub3A_615 : vector<1x128xi1>, vector<1x128xf32>
    %slice3A_617 = vector.extract_strided_slice %lt3A_293 {offsets = [0, 640], sizes = [1, 128], strides = [1, 1]} : vector<1x2048xi1> to vector<1x128xi1>
    %jit3A_618 = arith.constant 1.000000e+06 : f32
    %broadcast_in_dim3A_619 = vector.broadcast %jit3A_618 : f32 to vector<1x128xf32>
    %select_n3A_620 = arith.select %slice3A_617, %select_n3A_616, %broadcast_in_dim3A_619 : vector<1x128xi1>, vector<1x128xf32>
    %eq3A_621 = vector.broadcast %select_n3A_620 : vector<1x128xf32> to vector<128x128xf32>
    %eq3A_622 = vector.broadcast %convert_element_type3A_314 : vector<128x1xf32> to vector<128x128xf32>
    %eq3A_623 = arith.cmpf oeq, %eq3A_621, %eq3A_622 : vector<128x128xf32>
    %convert_element_type3A_624 = arith.extui %eq3A_623 : vector<128x128xi1> to vector<128x128xi32>
    %convert_element_type3A_625 = arith.sitofp %convert_element_type3A_624 : vector<128x128xi32> to vector<128x128xf32>
    %slice3A_626 = vector.extract_strided_slice %get3A_1 {offsets = [640, 0], sizes = [128, 8], strides = [1, 1]} : vector<2048x8xf32> to vector<128x8xf32>
    %dot_general3A_627 = arith.constant dense<0.000000e+00> : vector<128x8xf32>
    %dot_general3A_628 = tpu.matmul %convert_element_type3A_625, %slice3A_626, %dot_general3A_627 {dimension_numbers = #tpu.dot_dimension_numbers<[1], [0], [0], [1], [0, 0, 1, 1], [], []>, transpose_lhs_hint = false} : vector<128x128xf32>, vector<128x8xf32>, vector<128x8xf32> -> vector<128x8xf32>
    %add3A_629 = arith.addf %add3A_574, %dot_general3A_628 : vector<128x8xf32>
    %slice3A_630 = vector.extract_strided_slice %select_n3A_302 {offsets = [0, 640], sizes = [1, 128], strides = [1, 1]} : vector<1x2048xf32> to vector<1x128xf32>
    %jit3A_631 = arith.constant 0.000000e+00 : f32
    %broadcast_in_dim3A_632 = vector.shape_cast %slice3A_630 : vector<1x128xf32> to vector<1x128xf32>
    %broadcast_in_dim3A_633 = vector.broadcast %broadcast_in_dim3A_632 : vector<1x128xf32> to vector<128x128xf32>
    %broadcast_in_dim3A_634 = vector.broadcast %jit3A_631 : f32 to vector<128x128xf32>
    %select_n3A_635 = arith.select %eq3A_623, %broadcast_in_dim3A_633, %broadcast_in_dim3A_634 : vector<128x128xi1>, vector<128x128xf32>
    %reduce_sum3A_636 = arith.constant dense<0.000000e+00> : vector<128xf32>
    %reduce_sum3A_637 = vector.multi_reduction <add>, %select_n3A_635, %reduce_sum3A_636 [1] : vector<128x128xf32> to vector<128xf32>
    %broadcast_in_dim3A_638 = vector.shape_cast %reduce_sum3A_637 : vector<128xf32> to vector<128x1xf32>
    %add3A_639 = arith.addf %add3A_584, %broadcast_in_dim3A_638 : vector<128x1xf32>
    %reduce_sum3A_640 = vector.shape_cast %slice3A_597 : vector<1x128xf32> to vector<1x1x128xf32>
    %reduce_sum3A_641 = arith.constant dense<0.000000e+00> : vector<1xf32>
    %reduce_sum3A_642 = vector.multi_reduction <add>, %reduce_sum3A_640, %reduce_sum3A_641 [1, 2] : vector<1x1x128xf32> to vector<1xf32>
    %reduce_sum3A_643 = vector.shape_cast %reduce_sum3A_642 : vector<1xf32> to vector<1x1x1xf32>
    %reduce_sum3A_644 = vector.extract %reduce_sum3A_643[0, 0, 0] : f32 from vector<1x1x1xf32>
    %add3A_645 = arith.addf %add3A_590, %reduce_sum3A_644 : f32
    %reduce_sum3A_646 = vector.shape_cast %slice3A_598 : vector<1x128xf32> to vector<1x1x128xf32>
    %reduce_sum3A_647 = arith.constant dense<0.000000e+00> : vector<1xf32>
    %reduce_sum3A_648 = vector.multi_reduction <add>, %reduce_sum3A_646, %reduce_sum3A_647 [1, 2] : vector<1x1x128xf32> to vector<1xf32>
    %reduce_sum3A_649 = vector.shape_cast %reduce_sum3A_648 : vector<1xf32> to vector<1x1x1xf32>
    %reduce_sum3A_650 = vector.extract %reduce_sum3A_649[0, 0, 0] : f32 from vector<1x1x1xf32>
    %add3A_651 = arith.addf %add3A_596, %reduce_sum3A_650 : f32
    %slice3A_652 = vector.extract_strided_slice %convert_element_type3A_304 {offsets = [0, 768], sizes = [1, 128], strides = [1, 1]} : vector<1x2048xf32> to vector<1x128xf32>
    %slice3A_653 = vector.extract_strided_slice %convert_element_type3A_306 {offsets = [0, 768], sizes = [1, 128], strides = [1, 1]} : vector<1x2048xf32> to vector<1x128xf32>
    %dot_general3A_654 = arith.constant dense<0.000000e+00> : vector<1x128xf32>
    %dot_general3A_655 = tpu.matmul %slice3A_652, %convert_element_type3A_312, %dot_general3A_654 {dimension_numbers = #tpu.dot_dimension_numbers<[1], [0], [0], [1], [0, 0, 1, 1], [], []>, transpose_lhs_hint = false} : vector<1x128xf32>, vector<128x128xf32>, vector<1x128xf32> -> vector<1x128xf32>
    %add3A_656 = vector.broadcast %add3A_645 : f32 to vector<1x128xf32>
    %add3A_657 = arith.addf %dot_general3A_655, %add3A_656 : vector<1x128xf32>
    %dot_general3A_658 = arith.constant dense<0.000000e+00> : vector<1x128xf32>
    %dot_general3A_659 = tpu.matmul %slice3A_653, %convert_element_type3A_312, %dot_general3A_658 {dimension_numbers = #tpu.dot_dimension_numbers<[1], [0], [0], [1], [0, 0, 1, 1], [], []>, transpose_lhs_hint = false} : vector<1x128xf32>, vector<128x128xf32>, vector<1x128xf32> -> vector<1x128xf32>
    %add3A_660 = vector.broadcast %add3A_651 : f32 to vector<1x128xf32>
    %add3A_661 = arith.addf %dot_general3A_659, %add3A_660 : vector<1x128xf32>
    %slice3A_662 = vector.extract_strided_slice %and3A_297 {offsets = [0, 768], sizes = [1, 128], strides = [1, 1]} : vector<1x2048xi1> to vector<1x128xi1>
    %sub3A_663 = arith.constant 1.000000e+00 : f32
    %sub3A_664 = vector.broadcast %sub3A_663 : f32 to vector<1x128xf32>
    %sub3A_665 = arith.subf %add3A_657, %sub3A_664 : vector<1x128xf32>
    %add3A_666 = vector.broadcast %reduce_sum3A_310 : f32 to vector<1x128xf32>
    %add3A_667 = arith.addf %add3A_666, %add3A_661 : vector<1x128xf32>
    %sub3A_668 = arith.constant 1.000000e+00 : f32
    %sub3A_669 = vector.broadcast %sub3A_668 : f32 to vector<1x128xf32>
    %sub3A_670 = arith.subf %add3A_667, %sub3A_669 : vector<1x128xf32>
    %select_n3A_671 = arith.select %slice3A_662, %sub3A_665, %sub3A_670 : vector<1x128xi1>, vector<1x128xf32>
    %slice3A_672 = vector.extract_strided_slice %lt3A_293 {offsets = [0, 768], sizes = [1, 128], strides = [1, 1]} : vector<1x2048xi1> to vector<1x128xi1>
    %jit3A_673 = arith.constant 1.000000e+06 : f32
    %broadcast_in_dim3A_674 = vector.broadcast %jit3A_673 : f32 to vector<1x128xf32>
    %select_n3A_675 = arith.select %slice3A_672, %select_n3A_671, %broadcast_in_dim3A_674 : vector<1x128xi1>, vector<1x128xf32>
    %eq3A_676 = vector.broadcast %select_n3A_675 : vector<1x128xf32> to vector<128x128xf32>
    %eq3A_677 = vector.broadcast %convert_element_type3A_314 : vector<128x1xf32> to vector<128x128xf32>
    %eq3A_678 = arith.cmpf oeq, %eq3A_676, %eq3A_677 : vector<128x128xf32>
    %convert_element_type3A_679 = arith.extui %eq3A_678 : vector<128x128xi1> to vector<128x128xi32>
    %convert_element_type3A_680 = arith.sitofp %convert_element_type3A_679 : vector<128x128xi32> to vector<128x128xf32>
    %slice3A_681 = vector.extract_strided_slice %get3A_1 {offsets = [768, 0], sizes = [128, 8], strides = [1, 1]} : vector<2048x8xf32> to vector<128x8xf32>
    %dot_general3A_682 = arith.constant dense<0.000000e+00> : vector<128x8xf32>
    %dot_general3A_683 = tpu.matmul %convert_element_type3A_680, %slice3A_681, %dot_general3A_682 {dimension_numbers = #tpu.dot_dimension_numbers<[1], [0], [0], [1], [0, 0, 1, 1], [], []>, transpose_lhs_hint = false} : vector<128x128xf32>, vector<128x8xf32>, vector<128x8xf32> -> vector<128x8xf32>
    %add3A_684 = arith.addf %add3A_629, %dot_general3A_683 : vector<128x8xf32>
    %slice3A_685 = vector.extract_strided_slice %select_n3A_302 {offsets = [0, 768], sizes = [1, 128], strides = [1, 1]} : vector<1x2048xf32> to vector<1x128xf32>
    %jit3A_686 = arith.constant 0.000000e+00 : f32
    %broadcast_in_dim3A_687 = vector.shape_cast %slice3A_685 : vector<1x128xf32> to vector<1x128xf32>
    %broadcast_in_dim3A_688 = vector.broadcast %broadcast_in_dim3A_687 : vector<1x128xf32> to vector<128x128xf32>
    %broadcast_in_dim3A_689 = vector.broadcast %jit3A_686 : f32 to vector<128x128xf32>
    %select_n3A_690 = arith.select %eq3A_678, %broadcast_in_dim3A_688, %broadcast_in_dim3A_689 : vector<128x128xi1>, vector<128x128xf32>
    %reduce_sum3A_691 = arith.constant dense<0.000000e+00> : vector<128xf32>
    %reduce_sum3A_692 = vector.multi_reduction <add>, %select_n3A_690, %reduce_sum3A_691 [1] : vector<128x128xf32> to vector<128xf32>
    %broadcast_in_dim3A_693 = vector.shape_cast %reduce_sum3A_692 : vector<128xf32> to vector<128x1xf32>
    %add3A_694 = arith.addf %add3A_639, %broadcast_in_dim3A_693 : vector<128x1xf32>
    %reduce_sum3A_695 = vector.shape_cast %slice3A_652 : vector<1x128xf32> to vector<1x1x128xf32>
    %reduce_sum3A_696 = arith.constant dense<0.000000e+00> : vector<1xf32>
    %reduce_sum3A_697 = vector.multi_reduction <add>, %reduce_sum3A_695, %reduce_sum3A_696 [1, 2] : vector<1x1x128xf32> to vector<1xf32>
    %reduce_sum3A_698 = vector.shape_cast %reduce_sum3A_697 : vector<1xf32> to vector<1x1x1xf32>
    %reduce_sum3A_699 = vector.extract %reduce_sum3A_698[0, 0, 0] : f32 from vector<1x1x1xf32>
    %add3A_700 = arith.addf %add3A_645, %reduce_sum3A_699 : f32
    %reduce_sum3A_701 = vector.shape_cast %slice3A_653 : vector<1x128xf32> to vector<1x1x128xf32>
    %reduce_sum3A_702 = arith.constant dense<0.000000e+00> : vector<1xf32>
    %reduce_sum3A_703 = vector.multi_reduction <add>, %reduce_sum3A_701, %reduce_sum3A_702 [1, 2] : vector<1x1x128xf32> to vector<1xf32>
    %reduce_sum3A_704 = vector.shape_cast %reduce_sum3A_703 : vector<1xf32> to vector<1x1x1xf32>
    %reduce_sum3A_705 = vector.extract %reduce_sum3A_704[0, 0, 0] : f32 from vector<1x1x1xf32>
    %add3A_706 = arith.addf %add3A_651, %reduce_sum3A_705 : f32
    %slice3A_707 = vector.extract_strided_slice %convert_element_type3A_304 {offsets = [0, 896], sizes = [1, 128], strides = [1, 1]} : vector<1x2048xf32> to vector<1x128xf32>
    %slice3A_708 = vector.extract_strided_slice %convert_element_type3A_306 {offsets = [0, 896], sizes = [1, 128], strides = [1, 1]} : vector<1x2048xf32> to vector<1x128xf32>
    %dot_general3A_709 = arith.constant dense<0.000000e+00> : vector<1x128xf32>
    %dot_general3A_710 = tpu.matmul %slice3A_707, %convert_element_type3A_312, %dot_general3A_709 {dimension_numbers = #tpu.dot_dimension_numbers<[1], [0], [0], [1], [0, 0, 1, 1], [], []>, transpose_lhs_hint = false} : vector<1x128xf32>, vector<128x128xf32>, vector<1x128xf32> -> vector<1x128xf32>
    %add3A_711 = vector.broadcast %add3A_700 : f32 to vector<1x128xf32>
    %add3A_712 = arith.addf %dot_general3A_710, %add3A_711 : vector<1x128xf32>
    %dot_general3A_713 = arith.constant dense<0.000000e+00> : vector<1x128xf32>
    %dot_general3A_714 = tpu.matmul %slice3A_708, %convert_element_type3A_312, %dot_general3A_713 {dimension_numbers = #tpu.dot_dimension_numbers<[1], [0], [0], [1], [0, 0, 1, 1], [], []>, transpose_lhs_hint = false} : vector<1x128xf32>, vector<128x128xf32>, vector<1x128xf32> -> vector<1x128xf32>
    %add3A_715 = vector.broadcast %add3A_706 : f32 to vector<1x128xf32>
    %add3A_716 = arith.addf %dot_general3A_714, %add3A_715 : vector<1x128xf32>
    %slice3A_717 = vector.extract_strided_slice %and3A_297 {offsets = [0, 896], sizes = [1, 128], strides = [1, 1]} : vector<1x2048xi1> to vector<1x128xi1>
    %sub3A_718 = arith.constant 1.000000e+00 : f32
    %sub3A_719 = vector.broadcast %sub3A_718 : f32 to vector<1x128xf32>
    %sub3A_720 = arith.subf %add3A_712, %sub3A_719 : vector<1x128xf32>
    %add3A_721 = vector.broadcast %reduce_sum3A_310 : f32 to vector<1x128xf32>
    %add3A_722 = arith.addf %add3A_721, %add3A_716 : vector<1x128xf32>
    %sub3A_723 = arith.constant 1.000000e+00 : f32
    %sub3A_724 = vector.broadcast %sub3A_723 : f32 to vector<1x128xf32>
    %sub3A_725 = arith.subf %add3A_722, %sub3A_724 : vector<1x128xf32>
    %select_n3A_726 = arith.select %slice3A_717, %sub3A_720, %sub3A_725 : vector<1x128xi1>, vector<1x128xf32>
    %slice3A_727 = vector.extract_strided_slice %lt3A_293 {offsets = [0, 896], sizes = [1, 128], strides = [1, 1]} : vector<1x2048xi1> to vector<1x128xi1>
    %jit3A_728 = arith.constant 1.000000e+06 : f32
    %broadcast_in_dim3A_729 = vector.broadcast %jit3A_728 : f32 to vector<1x128xf32>
    %select_n3A_730 = arith.select %slice3A_727, %select_n3A_726, %broadcast_in_dim3A_729 : vector<1x128xi1>, vector<1x128xf32>
    %eq3A_731 = vector.broadcast %select_n3A_730 : vector<1x128xf32> to vector<128x128xf32>
    %eq3A_732 = vector.broadcast %convert_element_type3A_314 : vector<128x1xf32> to vector<128x128xf32>
    %eq3A_733 = arith.cmpf oeq, %eq3A_731, %eq3A_732 : vector<128x128xf32>
    %convert_element_type3A_734 = arith.extui %eq3A_733 : vector<128x128xi1> to vector<128x128xi32>
    %convert_element_type3A_735 = arith.sitofp %convert_element_type3A_734 : vector<128x128xi32> to vector<128x128xf32>
    %slice3A_736 = vector.extract_strided_slice %get3A_1 {offsets = [896, 0], sizes = [128, 8], strides = [1, 1]} : vector<2048x8xf32> to vector<128x8xf32>
    %dot_general3A_737 = arith.constant dense<0.000000e+00> : vector<128x8xf32>
    %dot_general3A_738 = tpu.matmul %convert_element_type3A_735, %slice3A_736, %dot_general3A_737 {dimension_numbers = #tpu.dot_dimension_numbers<[1], [0], [0], [1], [0, 0, 1, 1], [], []>, transpose_lhs_hint = false} : vector<128x128xf32>, vector<128x8xf32>, vector<128x8xf32> -> vector<128x8xf32>
    %add3A_739 = arith.addf %add3A_684, %dot_general3A_738 : vector<128x8xf32>
    %slice3A_740 = vector.extract_strided_slice %select_n3A_302 {offsets = [0, 896], sizes = [1, 128], strides = [1, 1]} : vector<1x2048xf32> to vector<1x128xf32>
    %jit3A_741 = arith.constant 0.000000e+00 : f32
    %broadcast_in_dim3A_742 = vector.shape_cast %slice3A_740 : vector<1x128xf32> to vector<1x128xf32>
    %broadcast_in_dim3A_743 = vector.broadcast %broadcast_in_dim3A_742 : vector<1x128xf32> to vector<128x128xf32>
    %broadcast_in_dim3A_744 = vector.broadcast %jit3A_741 : f32 to vector<128x128xf32>
    %select_n3A_745 = arith.select %eq3A_733, %broadcast_in_dim3A_743, %broadcast_in_dim3A_744 : vector<128x128xi1>, vector<128x128xf32>
    %reduce_sum3A_746 = arith.constant dense<0.000000e+00> : vector<128xf32>
    %reduce_sum3A_747 = vector.multi_reduction <add>, %select_n3A_745, %reduce_sum3A_746 [1] : vector<128x128xf32> to vector<128xf32>
    %broadcast_in_dim3A_748 = vector.shape_cast %reduce_sum3A_747 : vector<128xf32> to vector<128x1xf32>
    %add3A_749 = arith.addf %add3A_694, %broadcast_in_dim3A_748 : vector<128x1xf32>
    %reduce_sum3A_750 = vector.shape_cast %slice3A_707 : vector<1x128xf32> to vector<1x1x128xf32>
    %reduce_sum3A_751 = arith.constant dense<0.000000e+00> : vector<1xf32>
    %reduce_sum3A_752 = vector.multi_reduction <add>, %reduce_sum3A_750, %reduce_sum3A_751 [1, 2] : vector<1x1x128xf32> to vector<1xf32>
    %reduce_sum3A_753 = vector.shape_cast %reduce_sum3A_752 : vector<1xf32> to vector<1x1x1xf32>
    %reduce_sum3A_754 = vector.extract %reduce_sum3A_753[0, 0, 0] : f32 from vector<1x1x1xf32>
    %add3A_755 = arith.addf %add3A_700, %reduce_sum3A_754 : f32
    %reduce_sum3A_756 = vector.shape_cast %slice3A_708 : vector<1x128xf32> to vector<1x1x128xf32>
    %reduce_sum3A_757 = arith.constant dense<0.000000e+00> : vector<1xf32>
    %reduce_sum3A_758 = vector.multi_reduction <add>, %reduce_sum3A_756, %reduce_sum3A_757 [1, 2] : vector<1x1x128xf32> to vector<1xf32>
    %reduce_sum3A_759 = vector.shape_cast %reduce_sum3A_758 : vector<1xf32> to vector<1x1x1xf32>
    %reduce_sum3A_760 = vector.extract %reduce_sum3A_759[0, 0, 0] : f32 from vector<1x1x1xf32>
    %add3A_761 = arith.addf %add3A_706, %reduce_sum3A_760 : f32
    %slice3A_762 = vector.extract_strided_slice %convert_element_type3A_304 {offsets = [0, 1024], sizes = [1, 128], strides = [1, 1]} : vector<1x2048xf32> to vector<1x128xf32>
    %slice3A_763 = vector.extract_strided_slice %convert_element_type3A_306 {offsets = [0, 1024], sizes = [1, 128], strides = [1, 1]} : vector<1x2048xf32> to vector<1x128xf32>
    %dot_general3A_764 = arith.constant dense<0.000000e+00> : vector<1x128xf32>
    %dot_general3A_765 = tpu.matmul %slice3A_762, %convert_element_type3A_312, %dot_general3A_764 {dimension_numbers = #tpu.dot_dimension_numbers<[1], [0], [0], [1], [0, 0, 1, 1], [], []>, transpose_lhs_hint = false} : vector<1x128xf32>, vector<128x128xf32>, vector<1x128xf32> -> vector<1x128xf32>
    %add3A_766 = vector.broadcast %add3A_755 : f32 to vector<1x128xf32>
    %add3A_767 = arith.addf %dot_general3A_765, %add3A_766 : vector<1x128xf32>
    %dot_general3A_768 = arith.constant dense<0.000000e+00> : vector<1x128xf32>
    %dot_general3A_769 = tpu.matmul %slice3A_763, %convert_element_type3A_312, %dot_general3A_768 {dimension_numbers = #tpu.dot_dimension_numbers<[1], [0], [0], [1], [0, 0, 1, 1], [], []>, transpose_lhs_hint = false} : vector<1x128xf32>, vector<128x128xf32>, vector<1x128xf32> -> vector<1x128xf32>
    %add3A_770 = vector.broadcast %add3A_761 : f32 to vector<1x128xf32>
    %add3A_771 = arith.addf %dot_general3A_769, %add3A_770 : vector<1x128xf32>
    %slice3A_772 = vector.extract_strided_slice %and3A_297 {offsets = [0, 1024], sizes = [1, 128], strides = [1, 1]} : vector<1x2048xi1> to vector<1x128xi1>
    %sub3A_773 = arith.constant 1.000000e+00 : f32
    %sub3A_774 = vector.broadcast %sub3A_773 : f32 to vector<1x128xf32>
    %sub3A_775 = arith.subf %add3A_767, %sub3A_774 : vector<1x128xf32>
    %add3A_776 = vector.broadcast %reduce_sum3A_310 : f32 to vector<1x128xf32>
    %add3A_777 = arith.addf %add3A_776, %add3A_771 : vector<1x128xf32>
    %sub3A_778 = arith.constant 1.000000e+00 : f32
    %sub3A_779 = vector.broadcast %sub3A_778 : f32 to vector<1x128xf32>
    %sub3A_780 = arith.subf %add3A_777, %sub3A_779 : vector<1x128xf32>
    %select_n3A_781 = arith.select %slice3A_772, %sub3A_775, %sub3A_780 : vector<1x128xi1>, vector<1x128xf32>
    %slice3A_782 = vector.extract_strided_slice %lt3A_293 {offsets = [0, 1024], sizes = [1, 128], strides = [1, 1]} : vector<1x2048xi1> to vector<1x128xi1>
    %jit3A_783 = arith.constant 1.000000e+06 : f32
    %broadcast_in_dim3A_784 = vector.broadcast %jit3A_783 : f32 to vector<1x128xf32>
    %select_n3A_785 = arith.select %slice3A_782, %select_n3A_781, %broadcast_in_dim3A_784 : vector<1x128xi1>, vector<1x128xf32>
    %eq3A_786 = vector.broadcast %select_n3A_785 : vector<1x128xf32> to vector<128x128xf32>
    %eq3A_787 = vector.broadcast %convert_element_type3A_314 : vector<128x1xf32> to vector<128x128xf32>
    %eq3A_788 = arith.cmpf oeq, %eq3A_786, %eq3A_787 : vector<128x128xf32>
    %convert_element_type3A_789 = arith.extui %eq3A_788 : vector<128x128xi1> to vector<128x128xi32>
    %convert_element_type3A_790 = arith.sitofp %convert_element_type3A_789 : vector<128x128xi32> to vector<128x128xf32>
    %slice3A_791 = vector.extract_strided_slice %get3A_1 {offsets = [1024, 0], sizes = [128, 8], strides = [1, 1]} : vector<2048x8xf32> to vector<128x8xf32>
    %dot_general3A_792 = arith.constant dense<0.000000e+00> : vector<128x8xf32>
    %dot_general3A_793 = tpu.matmul %convert_element_type3A_790, %slice3A_791, %dot_general3A_792 {dimension_numbers = #tpu.dot_dimension_numbers<[1], [0], [0], [1], [0, 0, 1, 1], [], []>, transpose_lhs_hint = false} : vector<128x128xf32>, vector<128x8xf32>, vector<128x8xf32> -> vector<128x8xf32>
    %add3A_794 = arith.addf %add3A_739, %dot_general3A_793 : vector<128x8xf32>
    %slice3A_795 = vector.extract_strided_slice %select_n3A_302 {offsets = [0, 1024], sizes = [1, 128], strides = [1, 1]} : vector<1x2048xf32> to vector<1x128xf32>
    %jit3A_796 = arith.constant 0.000000e+00 : f32
    %broadcast_in_dim3A_797 = vector.shape_cast %slice3A_795 : vector<1x128xf32> to vector<1x128xf32>
    %broadcast_in_dim3A_798 = vector.broadcast %broadcast_in_dim3A_797 : vector<1x128xf32> to vector<128x128xf32>
    %broadcast_in_dim3A_799 = vector.broadcast %jit3A_796 : f32 to vector<128x128xf32>
    %select_n3A_800 = arith.select %eq3A_788, %broadcast_in_dim3A_798, %broadcast_in_dim3A_799 : vector<128x128xi1>, vector<128x128xf32>
    %reduce_sum3A_801 = arith.constant dense<0.000000e+00> : vector<128xf32>
    %reduce_sum3A_802 = vector.multi_reduction <add>, %select_n3A_800, %reduce_sum3A_801 [1] : vector<128x128xf32> to vector<128xf32>
    %broadcast_in_dim3A_803 = vector.shape_cast %reduce_sum3A_802 : vector<128xf32> to vector<128x1xf32>
    %add3A_804 = arith.addf %add3A_749, %broadcast_in_dim3A_803 : vector<128x1xf32>
    %reduce_sum3A_805 = vector.shape_cast %slice3A_762 : vector<1x128xf32> to vector<1x1x128xf32>
    %reduce_sum3A_806 = arith.constant dense<0.000000e+00> : vector<1xf32>
    %reduce_sum3A_807 = vector.multi_reduction <add>, %reduce_sum3A_805, %reduce_sum3A_806 [1, 2] : vector<1x1x128xf32> to vector<1xf32>
    %reduce_sum3A_808 = vector.shape_cast %reduce_sum3A_807 : vector<1xf32> to vector<1x1x1xf32>
    %reduce_sum3A_809 = vector.extract %reduce_sum3A_808[0, 0, 0] : f32 from vector<1x1x1xf32>
    %add3A_810 = arith.addf %add3A_755, %reduce_sum3A_809 : f32
    %reduce_sum3A_811 = vector.shape_cast %slice3A_763 : vector<1x128xf32> to vector<1x1x128xf32>
    %reduce_sum3A_812 = arith.constant dense<0.000000e+00> : vector<1xf32>
    %reduce_sum3A_813 = vector.multi_reduction <add>, %reduce_sum3A_811, %reduce_sum3A_812 [1, 2] : vector<1x1x128xf32> to vector<1xf32>
    %reduce_sum3A_814 = vector.shape_cast %reduce_sum3A_813 : vector<1xf32> to vector<1x1x1xf32>
    %reduce_sum3A_815 = vector.extract %reduce_sum3A_814[0, 0, 0] : f32 from vector<1x1x1xf32>
    %add3A_816 = arith.addf %add3A_761, %reduce_sum3A_815 : f32
    %slice3A_817 = vector.extract_strided_slice %convert_element_type3A_304 {offsets = [0, 1152], sizes = [1, 128], strides = [1, 1]} : vector<1x2048xf32> to vector<1x128xf32>
    %slice3A_818 = vector.extract_strided_slice %convert_element_type3A_306 {offsets = [0, 1152], sizes = [1, 128], strides = [1, 1]} : vector<1x2048xf32> to vector<1x128xf32>
    %dot_general3A_819 = arith.constant dense<0.000000e+00> : vector<1x128xf32>
    %dot_general3A_820 = tpu.matmul %slice3A_817, %convert_element_type3A_312, %dot_general3A_819 {dimension_numbers = #tpu.dot_dimension_numbers<[1], [0], [0], [1], [0, 0, 1, 1], [], []>, transpose_lhs_hint = false} : vector<1x128xf32>, vector<128x128xf32>, vector<1x128xf32> -> vector<1x128xf32>
    %add3A_821 = vector.broadcast %add3A_810 : f32 to vector<1x128xf32>
    %add3A_822 = arith.addf %dot_general3A_820, %add3A_821 : vector<1x128xf32>
    %dot_general3A_823 = arith.constant dense<0.000000e+00> : vector<1x128xf32>
    %dot_general3A_824 = tpu.matmul %slice3A_818, %convert_element_type3A_312, %dot_general3A_823 {dimension_numbers = #tpu.dot_dimension_numbers<[1], [0], [0], [1], [0, 0, 1, 1], [], []>, transpose_lhs_hint = false} : vector<1x128xf32>, vector<128x128xf32>, vector<1x128xf32> -> vector<1x128xf32>
    %add3A_825 = vector.broadcast %add3A_816 : f32 to vector<1x128xf32>
    %add3A_826 = arith.addf %dot_general3A_824, %add3A_825 : vector<1x128xf32>
    %slice3A_827 = vector.extract_strided_slice %and3A_297 {offsets = [0, 1152], sizes = [1, 128], strides = [1, 1]} : vector<1x2048xi1> to vector<1x128xi1>
    %sub3A_828 = arith.constant 1.000000e+00 : f32
    %sub3A_829 = vector.broadcast %sub3A_828 : f32 to vector<1x128xf32>
    %sub3A_830 = arith.subf %add3A_822, %sub3A_829 : vector<1x128xf32>
    %add3A_831 = vector.broadcast %reduce_sum3A_310 : f32 to vector<1x128xf32>
    %add3A_832 = arith.addf %add3A_831, %add3A_826 : vector<1x128xf32>
    %sub3A_833 = arith.constant 1.000000e+00 : f32
    %sub3A_834 = vector.broadcast %sub3A_833 : f32 to vector<1x128xf32>
    %sub3A_835 = arith.subf %add3A_832, %sub3A_834 : vector<1x128xf32>
    %select_n3A_836 = arith.select %slice3A_827, %sub3A_830, %sub3A_835 : vector<1x128xi1>, vector<1x128xf32>
    %slice3A_837 = vector.extract_strided_slice %lt3A_293 {offsets = [0, 1152], sizes = [1, 128], strides = [1, 1]} : vector<1x2048xi1> to vector<1x128xi1>
    %jit3A_838 = arith.constant 1.000000e+06 : f32
    %broadcast_in_dim3A_839 = vector.broadcast %jit3A_838 : f32 to vector<1x128xf32>
    %select_n3A_840 = arith.select %slice3A_837, %select_n3A_836, %broadcast_in_dim3A_839 : vector<1x128xi1>, vector<1x128xf32>
    %eq3A_841 = vector.broadcast %select_n3A_840 : vector<1x128xf32> to vector<128x128xf32>
    %eq3A_842 = vector.broadcast %convert_element_type3A_314 : vector<128x1xf32> to vector<128x128xf32>
    %eq3A_843 = arith.cmpf oeq, %eq3A_841, %eq3A_842 : vector<128x128xf32>
    %convert_element_type3A_844 = arith.extui %eq3A_843 : vector<128x128xi1> to vector<128x128xi32>
    %convert_element_type3A_845 = arith.sitofp %convert_element_type3A_844 : vector<128x128xi32> to vector<128x128xf32>
    %slice3A_846 = vector.extract_strided_slice %get3A_1 {offsets = [1152, 0], sizes = [128, 8], strides = [1, 1]} : vector<2048x8xf32> to vector<128x8xf32>
    %dot_general3A_847 = arith.constant dense<0.000000e+00> : vector<128x8xf32>
    %dot_general3A_848 = tpu.matmul %convert_element_type3A_845, %slice3A_846, %dot_general3A_847 {dimension_numbers = #tpu.dot_dimension_numbers<[1], [0], [0], [1], [0, 0, 1, 1], [], []>, transpose_lhs_hint = false} : vector<128x128xf32>, vector<128x8xf32>, vector<128x8xf32> -> vector<128x8xf32>
    %add3A_849 = arith.addf %add3A_794, %dot_general3A_848 : vector<128x8xf32>
    %slice3A_850 = vector.extract_strided_slice %select_n3A_302 {offsets = [0, 1152], sizes = [1, 128], strides = [1, 1]} : vector<1x2048xf32> to vector<1x128xf32>
    %jit3A_851 = arith.constant 0.000000e+00 : f32
    %broadcast_in_dim3A_852 = vector.shape_cast %slice3A_850 : vector<1x128xf32> to vector<1x128xf32>
    %broadcast_in_dim3A_853 = vector.broadcast %broadcast_in_dim3A_852 : vector<1x128xf32> to vector<128x128xf32>
    %broadcast_in_dim3A_854 = vector.broadcast %jit3A_851 : f32 to vector<128x128xf32>
    %select_n3A_855 = arith.select %eq3A_843, %broadcast_in_dim3A_853, %broadcast_in_dim3A_854 : vector<128x128xi1>, vector<128x128xf32>
    %reduce_sum3A_856 = arith.constant dense<0.000000e+00> : vector<128xf32>
    %reduce_sum3A_857 = vector.multi_reduction <add>, %select_n3A_855, %reduce_sum3A_856 [1] : vector<128x128xf32> to vector<128xf32>
    %broadcast_in_dim3A_858 = vector.shape_cast %reduce_sum3A_857 : vector<128xf32> to vector<128x1xf32>
    %add3A_859 = arith.addf %add3A_804, %broadcast_in_dim3A_858 : vector<128x1xf32>
    %reduce_sum3A_860 = vector.shape_cast %slice3A_817 : vector<1x128xf32> to vector<1x1x128xf32>
    %reduce_sum3A_861 = arith.constant dense<0.000000e+00> : vector<1xf32>
    %reduce_sum3A_862 = vector.multi_reduction <add>, %reduce_sum3A_860, %reduce_sum3A_861 [1, 2] : vector<1x1x128xf32> to vector<1xf32>
    %reduce_sum3A_863 = vector.shape_cast %reduce_sum3A_862 : vector<1xf32> to vector<1x1x1xf32>
    %reduce_sum3A_864 = vector.extract %reduce_sum3A_863[0, 0, 0] : f32 from vector<1x1x1xf32>
    %add3A_865 = arith.addf %add3A_810, %reduce_sum3A_864 : f32
    %reduce_sum3A_866 = vector.shape_cast %slice3A_818 : vector<1x128xf32> to vector<1x1x128xf32>
    %reduce_sum3A_867 = arith.constant dense<0.000000e+00> : vector<1xf32>
    %reduce_sum3A_868 = vector.multi_reduction <add>, %reduce_sum3A_866, %reduce_sum3A_867 [1, 2] : vector<1x1x128xf32> to vector<1xf32>
    %reduce_sum3A_869 = vector.shape_cast %reduce_sum3A_868 : vector<1xf32> to vector<1x1x1xf32>
    %reduce_sum3A_870 = vector.extract %reduce_sum3A_869[0, 0, 0] : f32 from vector<1x1x1xf32>
    %add3A_871 = arith.addf %add3A_816, %reduce_sum3A_870 : f32
    %slice3A_872 = vector.extract_strided_slice %convert_element_type3A_304 {offsets = [0, 1280], sizes = [1, 128], strides = [1, 1]} : vector<1x2048xf32> to vector<1x128xf32>
    %slice3A_873 = vector.extract_strided_slice %convert_element_type3A_306 {offsets = [0, 1280], sizes = [1, 128], strides = [1, 1]} : vector<1x2048xf32> to vector<1x128xf32>
    %dot_general3A_874 = arith.constant dense<0.000000e+00> : vector<1x128xf32>
    %dot_general3A_875 = tpu.matmul %slice3A_872, %convert_element_type3A_312, %dot_general3A_874 {dimension_numbers = #tpu.dot_dimension_numbers<[1], [0], [0], [1], [0, 0, 1, 1], [], []>, transpose_lhs_hint = false} : vector<1x128xf32>, vector<128x128xf32>, vector<1x128xf32> -> vector<1x128xf32>
    %add3A_876 = vector.broadcast %add3A_865 : f32 to vector<1x128xf32>
    %add3A_877 = arith.addf %dot_general3A_875, %add3A_876 : vector<1x128xf32>
    %dot_general3A_878 = arith.constant dense<0.000000e+00> : vector<1x128xf32>
    %dot_general3A_879 = tpu.matmul %slice3A_873, %convert_element_type3A_312, %dot_general3A_878 {dimension_numbers = #tpu.dot_dimension_numbers<[1], [0], [0], [1], [0, 0, 1, 1], [], []>, transpose_lhs_hint = false} : vector<1x128xf32>, vector<128x128xf32>, vector<1x128xf32> -> vector<1x128xf32>
    %add3A_880 = vector.broadcast %add3A_871 : f32 to vector<1x128xf32>
    %add3A_881 = arith.addf %dot_general3A_879, %add3A_880 : vector<1x128xf32>
    %slice3A_882 = vector.extract_strided_slice %and3A_297 {offsets = [0, 1280], sizes = [1, 128], strides = [1, 1]} : vector<1x2048xi1> to vector<1x128xi1>
    %sub3A_883 = arith.constant 1.000000e+00 : f32
    %sub3A_884 = vector.broadcast %sub3A_883 : f32 to vector<1x128xf32>
    %sub3A_885 = arith.subf %add3A_877, %sub3A_884 : vector<1x128xf32>
    %add3A_886 = vector.broadcast %reduce_sum3A_310 : f32 to vector<1x128xf32>
    %add3A_887 = arith.addf %add3A_886, %add3A_881 : vector<1x128xf32>
    %sub3A_888 = arith.constant 1.000000e+00 : f32
    %sub3A_889 = vector.broadcast %sub3A_888 : f32 to vector<1x128xf32>
    %sub3A_890 = arith.subf %add3A_887, %sub3A_889 : vector<1x128xf32>
    %select_n3A_891 = arith.select %slice3A_882, %sub3A_885, %sub3A_890 : vector<1x128xi1>, vector<1x128xf32>
    %slice3A_892 = vector.extract_strided_slice %lt3A_293 {offsets = [0, 1280], sizes = [1, 128], strides = [1, 1]} : vector<1x2048xi1> to vector<1x128xi1>
    %jit3A_893 = arith.constant 1.000000e+06 : f32
    %broadcast_in_dim3A_894 = vector.broadcast %jit3A_893 : f32 to vector<1x128xf32>
    %select_n3A_895 = arith.select %slice3A_892, %select_n3A_891, %broadcast_in_dim3A_894 : vector<1x128xi1>, vector<1x128xf32>
    %eq3A_896 = vector.broadcast %select_n3A_895 : vector<1x128xf32> to vector<128x128xf32>
    %eq3A_897 = vector.broadcast %convert_element_type3A_314 : vector<128x1xf32> to vector<128x128xf32>
    %eq3A_898 = arith.cmpf oeq, %eq3A_896, %eq3A_897 : vector<128x128xf32>
    %convert_element_type3A_899 = arith.extui %eq3A_898 : vector<128x128xi1> to vector<128x128xi32>
    %convert_element_type3A_900 = arith.sitofp %convert_element_type3A_899 : vector<128x128xi32> to vector<128x128xf32>
    %slice3A_901 = vector.extract_strided_slice %get3A_1 {offsets = [1280, 0], sizes = [128, 8], strides = [1, 1]} : vector<2048x8xf32> to vector<128x8xf32>
    %dot_general3A_902 = arith.constant dense<0.000000e+00> : vector<128x8xf32>
    %dot_general3A_903 = tpu.matmul %convert_element_type3A_900, %slice3A_901, %dot_general3A_902 {dimension_numbers = #tpu.dot_dimension_numbers<[1], [0], [0], [1], [0, 0, 1, 1], [], []>, transpose_lhs_hint = false} : vector<128x128xf32>, vector<128x8xf32>, vector<128x8xf32> -> vector<128x8xf32>
    %add3A_904 = arith.addf %add3A_849, %dot_general3A_903 : vector<128x8xf32>
    %slice3A_905 = vector.extract_strided_slice %select_n3A_302 {offsets = [0, 1280], sizes = [1, 128], strides = [1, 1]} : vector<1x2048xf32> to vector<1x128xf32>
    %jit3A_906 = arith.constant 0.000000e+00 : f32
    %broadcast_in_dim3A_907 = vector.shape_cast %slice3A_905 : vector<1x128xf32> to vector<1x128xf32>
    %broadcast_in_dim3A_908 = vector.broadcast %broadcast_in_dim3A_907 : vector<1x128xf32> to vector<128x128xf32>
    %broadcast_in_dim3A_909 = vector.broadcast %jit3A_906 : f32 to vector<128x128xf32>
    %select_n3A_910 = arith.select %eq3A_898, %broadcast_in_dim3A_908, %broadcast_in_dim3A_909 : vector<128x128xi1>, vector<128x128xf32>
    %reduce_sum3A_911 = arith.constant dense<0.000000e+00> : vector<128xf32>
    %reduce_sum3A_912 = vector.multi_reduction <add>, %select_n3A_910, %reduce_sum3A_911 [1] : vector<128x128xf32> to vector<128xf32>
    %broadcast_in_dim3A_913 = vector.shape_cast %reduce_sum3A_912 : vector<128xf32> to vector<128x1xf32>
    %add3A_914 = arith.addf %add3A_859, %broadcast_in_dim3A_913 : vector<128x1xf32>
    %reduce_sum3A_915 = vector.shape_cast %slice3A_872 : vector<1x128xf32> to vector<1x1x128xf32>
    %reduce_sum3A_916 = arith.constant dense<0.000000e+00> : vector<1xf32>
    %reduce_sum3A_917 = vector.multi_reduction <add>, %reduce_sum3A_915, %reduce_sum3A_916 [1, 2] : vector<1x1x128xf32> to vector<1xf32>
    %reduce_sum3A_918 = vector.shape_cast %reduce_sum3A_917 : vector<1xf32> to vector<1x1x1xf32>
    %reduce_sum3A_919 = vector.extract %reduce_sum3A_918[0, 0, 0] : f32 from vector<1x1x1xf32>
    %add3A_920 = arith.addf %add3A_865, %reduce_sum3A_919 : f32
    %reduce_sum3A_921 = vector.shape_cast %slice3A_873 : vector<1x128xf32> to vector<1x1x128xf32>
    %reduce_sum3A_922 = arith.constant dense<0.000000e+00> : vector<1xf32>
    %reduce_sum3A_923 = vector.multi_reduction <add>, %reduce_sum3A_921, %reduce_sum3A_922 [1, 2] : vector<1x1x128xf32> to vector<1xf32>
    %reduce_sum3A_924 = vector.shape_cast %reduce_sum3A_923 : vector<1xf32> to vector<1x1x1xf32>
    %reduce_sum3A_925 = vector.extract %reduce_sum3A_924[0, 0, 0] : f32 from vector<1x1x1xf32>
    %add3A_926 = arith.addf %add3A_871, %reduce_sum3A_925 : f32
    %slice3A_927 = vector.extract_strided_slice %convert_element_type3A_304 {offsets = [0, 1408], sizes = [1, 128], strides = [1, 1]} : vector<1x2048xf32> to vector<1x128xf32>
    %slice3A_928 = vector.extract_strided_slice %convert_element_type3A_306 {offsets = [0, 1408], sizes = [1, 128], strides = [1, 1]} : vector<1x2048xf32> to vector<1x128xf32>
    %dot_general3A_929 = arith.constant dense<0.000000e+00> : vector<1x128xf32>
    %dot_general3A_930 = tpu.matmul %slice3A_927, %convert_element_type3A_312, %dot_general3A_929 {dimension_numbers = #tpu.dot_dimension_numbers<[1], [0], [0], [1], [0, 0, 1, 1], [], []>, transpose_lhs_hint = false} : vector<1x128xf32>, vector<128x128xf32>, vector<1x128xf32> -> vector<1x128xf32>
    %add3A_931 = vector.broadcast %add3A_920 : f32 to vector<1x128xf32>
    %add3A_932 = arith.addf %dot_general3A_930, %add3A_931 : vector<1x128xf32>
    %dot_general3A_933 = arith.constant dense<0.000000e+00> : vector<1x128xf32>
    %dot_general3A_934 = tpu.matmul %slice3A_928, %convert_element_type3A_312, %dot_general3A_933 {dimension_numbers = #tpu.dot_dimension_numbers<[1], [0], [0], [1], [0, 0, 1, 1], [], []>, transpose_lhs_hint = false} : vector<1x128xf32>, vector<128x128xf32>, vector<1x128xf32> -> vector<1x128xf32>
    %add3A_935 = vector.broadcast %add3A_926 : f32 to vector<1x128xf32>
    %add3A_936 = arith.addf %dot_general3A_934, %add3A_935 : vector<1x128xf32>
    %slice3A_937 = vector.extract_strided_slice %and3A_297 {offsets = [0, 1408], sizes = [1, 128], strides = [1, 1]} : vector<1x2048xi1> to vector<1x128xi1>
    %sub3A_938 = arith.constant 1.000000e+00 : f32
    %sub3A_939 = vector.broadcast %sub3A_938 : f32 to vector<1x128xf32>
    %sub3A_940 = arith.subf %add3A_932, %sub3A_939 : vector<1x128xf32>
    %add3A_941 = vector.broadcast %reduce_sum3A_310 : f32 to vector<1x128xf32>
    %add3A_942 = arith.addf %add3A_941, %add3A_936 : vector<1x128xf32>
    %sub3A_943 = arith.constant 1.000000e+00 : f32
    %sub3A_944 = vector.broadcast %sub3A_943 : f32 to vector<1x128xf32>
    %sub3A_945 = arith.subf %add3A_942, %sub3A_944 : vector<1x128xf32>
    %select_n3A_946 = arith.select %slice3A_937, %sub3A_940, %sub3A_945 : vector<1x128xi1>, vector<1x128xf32>
    %slice3A_947 = vector.extract_strided_slice %lt3A_293 {offsets = [0, 1408], sizes = [1, 128], strides = [1, 1]} : vector<1x2048xi1> to vector<1x128xi1>
    %jit3A_948 = arith.constant 1.000000e+06 : f32
    %broadcast_in_dim3A_949 = vector.broadcast %jit3A_948 : f32 to vector<1x128xf32>
    %select_n3A_950 = arith.select %slice3A_947, %select_n3A_946, %broadcast_in_dim3A_949 : vector<1x128xi1>, vector<1x128xf32>
    %eq3A_951 = vector.broadcast %select_n3A_950 : vector<1x128xf32> to vector<128x128xf32>
    %eq3A_952 = vector.broadcast %convert_element_type3A_314 : vector<128x1xf32> to vector<128x128xf32>
    %eq3A_953 = arith.cmpf oeq, %eq3A_951, %eq3A_952 : vector<128x128xf32>
    %convert_element_type3A_954 = arith.extui %eq3A_953 : vector<128x128xi1> to vector<128x128xi32>
    %convert_element_type3A_955 = arith.sitofp %convert_element_type3A_954 : vector<128x128xi32> to vector<128x128xf32>
    %slice3A_956 = vector.extract_strided_slice %get3A_1 {offsets = [1408, 0], sizes = [128, 8], strides = [1, 1]} : vector<2048x8xf32> to vector<128x8xf32>
    %dot_general3A_957 = arith.constant dense<0.000000e+00> : vector<128x8xf32>
    %dot_general3A_958 = tpu.matmul %convert_element_type3A_955, %slice3A_956, %dot_general3A_957 {dimension_numbers = #tpu.dot_dimension_numbers<[1], [0], [0], [1], [0, 0, 1, 1], [], []>, transpose_lhs_hint = false} : vector<128x128xf32>, vector<128x8xf32>, vector<128x8xf32> -> vector<128x8xf32>
    %add3A_959 = arith.addf %add3A_904, %dot_general3A_958 : vector<128x8xf32>
    %slice3A_960 = vector.extract_strided_slice %select_n3A_302 {offsets = [0, 1408], sizes = [1, 128], strides = [1, 1]} : vector<1x2048xf32> to vector<1x128xf32>
    %jit3A_961 = arith.constant 0.000000e+00 : f32
    %broadcast_in_dim3A_962 = vector.shape_cast %slice3A_960 : vector<1x128xf32> to vector<1x128xf32>
    %broadcast_in_dim3A_963 = vector.broadcast %broadcast_in_dim3A_962 : vector<1x128xf32> to vector<128x128xf32>
    %broadcast_in_dim3A_964 = vector.broadcast %jit3A_961 : f32 to vector<128x128xf32>
    %select_n3A_965 = arith.select %eq3A_953, %broadcast_in_dim3A_963, %broadcast_in_dim3A_964 : vector<128x128xi1>, vector<128x128xf32>
    %reduce_sum3A_966 = arith.constant dense<0.000000e+00> : vector<128xf32>
    %reduce_sum3A_967 = vector.multi_reduction <add>, %select_n3A_965, %reduce_sum3A_966 [1] : vector<128x128xf32> to vector<128xf32>
    %broadcast_in_dim3A_968 = vector.shape_cast %reduce_sum3A_967 : vector<128xf32> to vector<128x1xf32>
    %add3A_969 = arith.addf %add3A_914, %broadcast_in_dim3A_968 : vector<128x1xf32>
    %reduce_sum3A_970 = vector.shape_cast %slice3A_927 : vector<1x128xf32> to vector<1x1x128xf32>
    %reduce_sum3A_971 = arith.constant dense<0.000000e+00> : vector<1xf32>
    %reduce_sum3A_972 = vector.multi_reduction <add>, %reduce_sum3A_970, %reduce_sum3A_971 [1, 2] : vector<1x1x128xf32> to vector<1xf32>
    %reduce_sum3A_973 = vector.shape_cast %reduce_sum3A_972 : vector<1xf32> to vector<1x1x1xf32>
    %reduce_sum3A_974 = vector.extract %reduce_sum3A_973[0, 0, 0] : f32 from vector<1x1x1xf32>
    %add3A_975 = arith.addf %add3A_920, %reduce_sum3A_974 : f32
    %reduce_sum3A_976 = vector.shape_cast %slice3A_928 : vector<1x128xf32> to vector<1x1x128xf32>
    %reduce_sum3A_977 = arith.constant dense<0.000000e+00> : vector<1xf32>
    %reduce_sum3A_978 = vector.multi_reduction <add>, %reduce_sum3A_976, %reduce_sum3A_977 [1, 2] : vector<1x1x128xf32> to vector<1xf32>
    %reduce_sum3A_979 = vector.shape_cast %reduce_sum3A_978 : vector<1xf32> to vector<1x1x1xf32>
    %reduce_sum3A_980 = vector.extract %reduce_sum3A_979[0, 0, 0] : f32 from vector<1x1x1xf32>
    %add3A_981 = arith.addf %add3A_926, %reduce_sum3A_980 : f32
    %slice3A_982 = vector.extract_strided_slice %convert_element_type3A_304 {offsets = [0, 1536], sizes = [1, 128], strides = [1, 1]} : vector<1x2048xf32> to vector<1x128xf32>
    %slice3A_983 = vector.extract_strided_slice %convert_element_type3A_306 {offsets = [0, 1536], sizes = [1, 128], strides = [1, 1]} : vector<1x2048xf32> to vector<1x128xf32>
    %dot_general3A_984 = arith.constant dense<0.000000e+00> : vector<1x128xf32>
    %dot_general3A_985 = tpu.matmul %slice3A_982, %convert_element_type3A_312, %dot_general3A_984 {dimension_numbers = #tpu.dot_dimension_numbers<[1], [0], [0], [1], [0, 0, 1, 1], [], []>, transpose_lhs_hint = false} : vector<1x128xf32>, vector<128x128xf32>, vector<1x128xf32> -> vector<1x128xf32>
    %add3A_986 = vector.broadcast %add3A_975 : f32 to vector<1x128xf32>
    %add3A_987 = arith.addf %dot_general3A_985, %add3A_986 : vector<1x128xf32>
    %dot_general3A_988 = arith.constant dense<0.000000e+00> : vector<1x128xf32>
    %dot_general3A_989 = tpu.matmul %slice3A_983, %convert_element_type3A_312, %dot_general3A_988 {dimension_numbers = #tpu.dot_dimension_numbers<[1], [0], [0], [1], [0, 0, 1, 1], [], []>, transpose_lhs_hint = false} : vector<1x128xf32>, vector<128x128xf32>, vector<1x128xf32> -> vector<1x128xf32>
    %add3A_990 = vector.broadcast %add3A_981 : f32 to vector<1x128xf32>
    %add3A_991 = arith.addf %dot_general3A_989, %add3A_990 : vector<1x128xf32>
    %slice3A_992 = vector.extract_strided_slice %and3A_297 {offsets = [0, 1536], sizes = [1, 128], strides = [1, 1]} : vector<1x2048xi1> to vector<1x128xi1>
    %sub3A_993 = arith.constant 1.000000e+00 : f32
    %sub3A_994 = vector.broadcast %sub3A_993 : f32 to vector<1x128xf32>
    %sub3A_995 = arith.subf %add3A_987, %sub3A_994 : vector<1x128xf32>
    %add3A_996 = vector.broadcast %reduce_sum3A_310 : f32 to vector<1x128xf32>
    %add3A_997 = arith.addf %add3A_996, %add3A_991 : vector<1x128xf32>
    %sub3A_998 = arith.constant 1.000000e+00 : f32
    %sub3A_999 = vector.broadcast %sub3A_998 : f32 to vector<1x128xf32>
    %sub3A_1000 = arith.subf %add3A_997, %sub3A_999 : vector<1x128xf32>
    %select_n3A_1001 = arith.select %slice3A_992, %sub3A_995, %sub3A_1000 : vector<1x128xi1>, vector<1x128xf32>
    %slice3A_1002 = vector.extract_strided_slice %lt3A_293 {offsets = [0, 1536], sizes = [1, 128], strides = [1, 1]} : vector<1x2048xi1> to vector<1x128xi1>
    %jit3A_1003 = arith.constant 1.000000e+06 : f32
    %broadcast_in_dim3A_1004 = vector.broadcast %jit3A_1003 : f32 to vector<1x128xf32>
    %select_n3A_1005 = arith.select %slice3A_1002, %select_n3A_1001, %broadcast_in_dim3A_1004 : vector<1x128xi1>, vector<1x128xf32>
    %eq3A_1006 = vector.broadcast %select_n3A_1005 : vector<1x128xf32> to vector<128x128xf32>
    %eq3A_1007 = vector.broadcast %convert_element_type3A_314 : vector<128x1xf32> to vector<128x128xf32>
    %eq3A_1008 = arith.cmpf oeq, %eq3A_1006, %eq3A_1007 : vector<128x128xf32>
    %convert_element_type3A_1009 = arith.extui %eq3A_1008 : vector<128x128xi1> to vector<128x128xi32>
    %convert_element_type3A_1010 = arith.sitofp %convert_element_type3A_1009 : vector<128x128xi32> to vector<128x128xf32>
    %slice3A_1011 = vector.extract_strided_slice %get3A_1 {offsets = [1536, 0], sizes = [128, 8], strides = [1, 1]} : vector<2048x8xf32> to vector<128x8xf32>
    %dot_general3A_1012 = arith.constant dense<0.000000e+00> : vector<128x8xf32>
    %dot_general3A_1013 = tpu.matmul %convert_element_type3A_1010, %slice3A_1011, %dot_general3A_1012 {dimension_numbers = #tpu.dot_dimension_numbers<[1], [0], [0], [1], [0, 0, 1, 1], [], []>, transpose_lhs_hint = false} : vector<128x128xf32>, vector<128x8xf32>, vector<128x8xf32> -> vector<128x8xf32>
    %add3A_1014 = arith.addf %add3A_959, %dot_general3A_1013 : vector<128x8xf32>
    %slice3A_1015 = vector.extract_strided_slice %select_n3A_302 {offsets = [0, 1536], sizes = [1, 128], strides = [1, 1]} : vector<1x2048xf32> to vector<1x128xf32>
    %jit3A_1016 = arith.constant 0.000000e+00 : f32
    %broadcast_in_dim3A_1017 = vector.shape_cast %slice3A_1015 : vector<1x128xf32> to vector<1x128xf32>
    %broadcast_in_dim3A_1018 = vector.broadcast %broadcast_in_dim3A_1017 : vector<1x128xf32> to vector<128x128xf32>
    %broadcast_in_dim3A_1019 = vector.broadcast %jit3A_1016 : f32 to vector<128x128xf32>
    %select_n3A_1020 = arith.select %eq3A_1008, %broadcast_in_dim3A_1018, %broadcast_in_dim3A_1019 : vector<128x128xi1>, vector<128x128xf32>
    %reduce_sum3A_1021 = arith.constant dense<0.000000e+00> : vector<128xf32>
    %reduce_sum3A_1022 = vector.multi_reduction <add>, %select_n3A_1020, %reduce_sum3A_1021 [1] : vector<128x128xf32> to vector<128xf32>
    %broadcast_in_dim3A_1023 = vector.shape_cast %reduce_sum3A_1022 : vector<128xf32> to vector<128x1xf32>
    %add3A_1024 = arith.addf %add3A_969, %broadcast_in_dim3A_1023 : vector<128x1xf32>
    %reduce_sum3A_1025 = vector.shape_cast %slice3A_982 : vector<1x128xf32> to vector<1x1x128xf32>
    %reduce_sum3A_1026 = arith.constant dense<0.000000e+00> : vector<1xf32>
    %reduce_sum3A_1027 = vector.multi_reduction <add>, %reduce_sum3A_1025, %reduce_sum3A_1026 [1, 2] : vector<1x1x128xf32> to vector<1xf32>
    %reduce_sum3A_1028 = vector.shape_cast %reduce_sum3A_1027 : vector<1xf32> to vector<1x1x1xf32>
    %reduce_sum3A_1029 = vector.extract %reduce_sum3A_1028[0, 0, 0] : f32 from vector<1x1x1xf32>
    %add3A_1030 = arith.addf %add3A_975, %reduce_sum3A_1029 : f32
    %reduce_sum3A_1031 = vector.shape_cast %slice3A_983 : vector<1x128xf32> to vector<1x1x128xf32>
    %reduce_sum3A_1032 = arith.constant dense<0.000000e+00> : vector<1xf32>
    %reduce_sum3A_1033 = vector.multi_reduction <add>, %reduce_sum3A_1031, %reduce_sum3A_1032 [1, 2] : vector<1x1x128xf32> to vector<1xf32>
    %reduce_sum3A_1034 = vector.shape_cast %reduce_sum3A_1033 : vector<1xf32> to vector<1x1x1xf32>
    %reduce_sum3A_1035 = vector.extract %reduce_sum3A_1034[0, 0, 0] : f32 from vector<1x1x1xf32>
    %add3A_1036 = arith.addf %add3A_981, %reduce_sum3A_1035 : f32
    %slice3A_1037 = vector.extract_strided_slice %convert_element_type3A_304 {offsets = [0, 1664], sizes = [1, 128], strides = [1, 1]} : vector<1x2048xf32> to vector<1x128xf32>
    %slice3A_1038 = vector.extract_strided_slice %convert_element_type3A_306 {offsets = [0, 1664], sizes = [1, 128], strides = [1, 1]} : vector<1x2048xf32> to vector<1x128xf32>
    %dot_general3A_1039 = arith.constant dense<0.000000e+00> : vector<1x128xf32>
    %dot_general3A_1040 = tpu.matmul %slice3A_1037, %convert_element_type3A_312, %dot_general3A_1039 {dimension_numbers = #tpu.dot_dimension_numbers<[1], [0], [0], [1], [0, 0, 1, 1], [], []>, transpose_lhs_hint = false} : vector<1x128xf32>, vector<128x128xf32>, vector<1x128xf32> -> vector<1x128xf32>
    %add3A_1041 = vector.broadcast %add3A_1030 : f32 to vector<1x128xf32>
    %add3A_1042 = arith.addf %dot_general3A_1040, %add3A_1041 : vector<1x128xf32>
    %dot_general3A_1043 = arith.constant dense<0.000000e+00> : vector<1x128xf32>
    %dot_general3A_1044 = tpu.matmul %slice3A_1038, %convert_element_type3A_312, %dot_general3A_1043 {dimension_numbers = #tpu.dot_dimension_numbers<[1], [0], [0], [1], [0, 0, 1, 1], [], []>, transpose_lhs_hint = false} : vector<1x128xf32>, vector<128x128xf32>, vector<1x128xf32> -> vector<1x128xf32>
    %add3A_1045 = vector.broadcast %add3A_1036 : f32 to vector<1x128xf32>
    %add3A_1046 = arith.addf %dot_general3A_1044, %add3A_1045 : vector<1x128xf32>
    %slice3A_1047 = vector.extract_strided_slice %and3A_297 {offsets = [0, 1664], sizes = [1, 128], strides = [1, 1]} : vector<1x2048xi1> to vector<1x128xi1>
    %sub3A_1048 = arith.constant 1.000000e+00 : f32
    %sub3A_1049 = vector.broadcast %sub3A_1048 : f32 to vector<1x128xf32>
    %sub3A_1050 = arith.subf %add3A_1042, %sub3A_1049 : vector<1x128xf32>
    %add3A_1051 = vector.broadcast %reduce_sum3A_310 : f32 to vector<1x128xf32>
    %add3A_1052 = arith.addf %add3A_1051, %add3A_1046 : vector<1x128xf32>
    %sub3A_1053 = arith.constant 1.000000e+00 : f32
    %sub3A_1054 = vector.broadcast %sub3A_1053 : f32 to vector<1x128xf32>
    %sub3A_1055 = arith.subf %add3A_1052, %sub3A_1054 : vector<1x128xf32>
    %select_n3A_1056 = arith.select %slice3A_1047, %sub3A_1050, %sub3A_1055 : vector<1x128xi1>, vector<1x128xf32>
    %slice3A_1057 = vector.extract_strided_slice %lt3A_293 {offsets = [0, 1664], sizes = [1, 128], strides = [1, 1]} : vector<1x2048xi1> to vector<1x128xi1>
    %jit3A_1058 = arith.constant 1.000000e+06 : f32
    %broadcast_in_dim3A_1059 = vector.broadcast %jit3A_1058 : f32 to vector<1x128xf32>
    %select_n3A_1060 = arith.select %slice3A_1057, %select_n3A_1056, %broadcast_in_dim3A_1059 : vector<1x128xi1>, vector<1x128xf32>
    %eq3A_1061 = vector.broadcast %select_n3A_1060 : vector<1x128xf32> to vector<128x128xf32>
    %eq3A_1062 = vector.broadcast %convert_element_type3A_314 : vector<128x1xf32> to vector<128x128xf32>
    %eq3A_1063 = arith.cmpf oeq, %eq3A_1061, %eq3A_1062 : vector<128x128xf32>
    %convert_element_type3A_1064 = arith.extui %eq3A_1063 : vector<128x128xi1> to vector<128x128xi32>
    %convert_element_type3A_1065 = arith.sitofp %convert_element_type3A_1064 : vector<128x128xi32> to vector<128x128xf32>
    %slice3A_1066 = vector.extract_strided_slice %get3A_1 {offsets = [1664, 0], sizes = [128, 8], strides = [1, 1]} : vector<2048x8xf32> to vector<128x8xf32>
    %dot_general3A_1067 = arith.constant dense<0.000000e+00> : vector<128x8xf32>
    %dot_general3A_1068 = tpu.matmul %convert_element_type3A_1065, %slice3A_1066, %dot_general3A_1067 {dimension_numbers = #tpu.dot_dimension_numbers<[1], [0], [0], [1], [0, 0, 1, 1], [], []>, transpose_lhs_hint = false} : vector<128x128xf32>, vector<128x8xf32>, vector<128x8xf32> -> vector<128x8xf32>
    %add3A_1069 = arith.addf %add3A_1014, %dot_general3A_1068 : vector<128x8xf32>
    %slice3A_1070 = vector.extract_strided_slice %select_n3A_302 {offsets = [0, 1664], sizes = [1, 128], strides = [1, 1]} : vector<1x2048xf32> to vector<1x128xf32>
    %jit3A_1071 = arith.constant 0.000000e+00 : f32
    %broadcast_in_dim3A_1072 = vector.shape_cast %slice3A_1070 : vector<1x128xf32> to vector<1x128xf32>
    %broadcast_in_dim3A_1073 = vector.broadcast %broadcast_in_dim3A_1072 : vector<1x128xf32> to vector<128x128xf32>
    %broadcast_in_dim3A_1074 = vector.broadcast %jit3A_1071 : f32 to vector<128x128xf32>
    %select_n3A_1075 = arith.select %eq3A_1063, %broadcast_in_dim3A_1073, %broadcast_in_dim3A_1074 : vector<128x128xi1>, vector<128x128xf32>
    %reduce_sum3A_1076 = arith.constant dense<0.000000e+00> : vector<128xf32>
    %reduce_sum3A_1077 = vector.multi_reduction <add>, %select_n3A_1075, %reduce_sum3A_1076 [1] : vector<128x128xf32> to vector<128xf32>
    %broadcast_in_dim3A_1078 = vector.shape_cast %reduce_sum3A_1077 : vector<128xf32> to vector<128x1xf32>
    %add3A_1079 = arith.addf %add3A_1024, %broadcast_in_dim3A_1078 : vector<128x1xf32>
    %reduce_sum3A_1080 = vector.shape_cast %slice3A_1037 : vector<1x128xf32> to vector<1x1x128xf32>
    %reduce_sum3A_1081 = arith.constant dense<0.000000e+00> : vector<1xf32>
    %reduce_sum3A_1082 = vector.multi_reduction <add>, %reduce_sum3A_1080, %reduce_sum3A_1081 [1, 2] : vector<1x1x128xf32> to vector<1xf32>
    %reduce_sum3A_1083 = vector.shape_cast %reduce_sum3A_1082 : vector<1xf32> to vector<1x1x1xf32>
    %reduce_sum3A_1084 = vector.extract %reduce_sum3A_1083[0, 0, 0] : f32 from vector<1x1x1xf32>
    %add3A_1085 = arith.addf %add3A_1030, %reduce_sum3A_1084 : f32
    %reduce_sum3A_1086 = vector.shape_cast %slice3A_1038 : vector<1x128xf32> to vector<1x1x128xf32>
    %reduce_sum3A_1087 = arith.constant dense<0.000000e+00> : vector<1xf32>
    %reduce_sum3A_1088 = vector.multi_reduction <add>, %reduce_sum3A_1086, %reduce_sum3A_1087 [1, 2] : vector<1x1x128xf32> to vector<1xf32>
    %reduce_sum3A_1089 = vector.shape_cast %reduce_sum3A_1088 : vector<1xf32> to vector<1x1x1xf32>
    %reduce_sum3A_1090 = vector.extract %reduce_sum3A_1089[0, 0, 0] : f32 from vector<1x1x1xf32>
    %add3A_1091 = arith.addf %add3A_1036, %reduce_sum3A_1090 : f32
    %slice3A_1092 = vector.extract_strided_slice %convert_element_type3A_304 {offsets = [0, 1792], sizes = [1, 128], strides = [1, 1]} : vector<1x2048xf32> to vector<1x128xf32>
    %slice3A_1093 = vector.extract_strided_slice %convert_element_type3A_306 {offsets = [0, 1792], sizes = [1, 128], strides = [1, 1]} : vector<1x2048xf32> to vector<1x128xf32>
    %dot_general3A_1094 = arith.constant dense<0.000000e+00> : vector<1x128xf32>
    %dot_general3A_1095 = tpu.matmul %slice3A_1092, %convert_element_type3A_312, %dot_general3A_1094 {dimension_numbers = #tpu.dot_dimension_numbers<[1], [0], [0], [1], [0, 0, 1, 1], [], []>, transpose_lhs_hint = false} : vector<1x128xf32>, vector<128x128xf32>, vector<1x128xf32> -> vector<1x128xf32>
    %add3A_1096 = vector.broadcast %add3A_1085 : f32 to vector<1x128xf32>
    %add3A_1097 = arith.addf %dot_general3A_1095, %add3A_1096 : vector<1x128xf32>
    %dot_general3A_1098 = arith.constant dense<0.000000e+00> : vector<1x128xf32>
    %dot_general3A_1099 = tpu.matmul %slice3A_1093, %convert_element_type3A_312, %dot_general3A_1098 {dimension_numbers = #tpu.dot_dimension_numbers<[1], [0], [0], [1], [0, 0, 1, 1], [], []>, transpose_lhs_hint = false} : vector<1x128xf32>, vector<128x128xf32>, vector<1x128xf32> -> vector<1x128xf32>
    %add3A_1100 = vector.broadcast %add3A_1091 : f32 to vector<1x128xf32>
    %add3A_1101 = arith.addf %dot_general3A_1099, %add3A_1100 : vector<1x128xf32>
    %slice3A_1102 = vector.extract_strided_slice %and3A_297 {offsets = [0, 1792], sizes = [1, 128], strides = [1, 1]} : vector<1x2048xi1> to vector<1x128xi1>
    %sub3A_1103 = arith.constant 1.000000e+00 : f32
    %sub3A_1104 = vector.broadcast %sub3A_1103 : f32 to vector<1x128xf32>
    %sub3A_1105 = arith.subf %add3A_1097, %sub3A_1104 : vector<1x128xf32>
    %add3A_1106 = vector.broadcast %reduce_sum3A_310 : f32 to vector<1x128xf32>
    %add3A_1107 = arith.addf %add3A_1106, %add3A_1101 : vector<1x128xf32>
    %sub3A_1108 = arith.constant 1.000000e+00 : f32
    %sub3A_1109 = vector.broadcast %sub3A_1108 : f32 to vector<1x128xf32>
    %sub3A_1110 = arith.subf %add3A_1107, %sub3A_1109 : vector<1x128xf32>
    %select_n3A_1111 = arith.select %slice3A_1102, %sub3A_1105, %sub3A_1110 : vector<1x128xi1>, vector<1x128xf32>
    %slice3A_1112 = vector.extract_strided_slice %lt3A_293 {offsets = [0, 1792], sizes = [1, 128], strides = [1, 1]} : vector<1x2048xi1> to vector<1x128xi1>
    %jit3A_1113 = arith.constant 1.000000e+06 : f32
    %broadcast_in_dim3A_1114 = vector.broadcast %jit3A_1113 : f32 to vector<1x128xf32>
    %select_n3A_1115 = arith.select %slice3A_1112, %select_n3A_1111, %broadcast_in_dim3A_1114 : vector<1x128xi1>, vector<1x128xf32>
    %eq3A_1116 = vector.broadcast %select_n3A_1115 : vector<1x128xf32> to vector<128x128xf32>
    %eq3A_1117 = vector.broadcast %convert_element_type3A_314 : vector<128x1xf32> to vector<128x128xf32>
    %eq3A_1118 = arith.cmpf oeq, %eq3A_1116, %eq3A_1117 : vector<128x128xf32>
    %convert_element_type3A_1119 = arith.extui %eq3A_1118 : vector<128x128xi1> to vector<128x128xi32>
    %convert_element_type3A_1120 = arith.sitofp %convert_element_type3A_1119 : vector<128x128xi32> to vector<128x128xf32>
    %slice3A_1121 = vector.extract_strided_slice %get3A_1 {offsets = [1792, 0], sizes = [128, 8], strides = [1, 1]} : vector<2048x8xf32> to vector<128x8xf32>
    %dot_general3A_1122 = arith.constant dense<0.000000e+00> : vector<128x8xf32>
    %dot_general3A_1123 = tpu.matmul %convert_element_type3A_1120, %slice3A_1121, %dot_general3A_1122 {dimension_numbers = #tpu.dot_dimension_numbers<[1], [0], [0], [1], [0, 0, 1, 1], [], []>, transpose_lhs_hint = false} : vector<128x128xf32>, vector<128x8xf32>, vector<128x8xf32> -> vector<128x8xf32>
    %add3A_1124 = arith.addf %add3A_1069, %dot_general3A_1123 : vector<128x8xf32>
    %slice3A_1125 = vector.extract_strided_slice %select_n3A_302 {offsets = [0, 1792], sizes = [1, 128], strides = [1, 1]} : vector<1x2048xf32> to vector<1x128xf32>
    %jit3A_1126 = arith.constant 0.000000e+00 : f32
    %broadcast_in_dim3A_1127 = vector.shape_cast %slice3A_1125 : vector<1x128xf32> to vector<1x128xf32>
    %broadcast_in_dim3A_1128 = vector.broadcast %broadcast_in_dim3A_1127 : vector<1x128xf32> to vector<128x128xf32>
    %broadcast_in_dim3A_1129 = vector.broadcast %jit3A_1126 : f32 to vector<128x128xf32>
    %select_n3A_1130 = arith.select %eq3A_1118, %broadcast_in_dim3A_1128, %broadcast_in_dim3A_1129 : vector<128x128xi1>, vector<128x128xf32>
    %reduce_sum3A_1131 = arith.constant dense<0.000000e+00> : vector<128xf32>
    %reduce_sum3A_1132 = vector.multi_reduction <add>, %select_n3A_1130, %reduce_sum3A_1131 [1] : vector<128x128xf32> to vector<128xf32>
    %broadcast_in_dim3A_1133 = vector.shape_cast %reduce_sum3A_1132 : vector<128xf32> to vector<128x1xf32>
    %add3A_1134 = arith.addf %add3A_1079, %broadcast_in_dim3A_1133 : vector<128x1xf32>
    %reduce_sum3A_1135 = vector.shape_cast %slice3A_1092 : vector<1x128xf32> to vector<1x1x128xf32>
    %reduce_sum3A_1136 = arith.constant dense<0.000000e+00> : vector<1xf32>
    %reduce_sum3A_1137 = vector.multi_reduction <add>, %reduce_sum3A_1135, %reduce_sum3A_1136 [1, 2] : vector<1x1x128xf32> to vector<1xf32>
    %reduce_sum3A_1138 = vector.shape_cast %reduce_sum3A_1137 : vector<1xf32> to vector<1x1x1xf32>
    %reduce_sum3A_1139 = vector.extract %reduce_sum3A_1138[0, 0, 0] : f32 from vector<1x1x1xf32>
    %add3A_1140 = arith.addf %add3A_1085, %reduce_sum3A_1139 : f32
    %reduce_sum3A_1141 = vector.shape_cast %slice3A_1093 : vector<1x128xf32> to vector<1x1x128xf32>
    %reduce_sum3A_1142 = arith.constant dense<0.000000e+00> : vector<1xf32>
    %reduce_sum3A_1143 = vector.multi_reduction <add>, %reduce_sum3A_1141, %reduce_sum3A_1142 [1, 2] : vector<1x1x128xf32> to vector<1xf32>
    %reduce_sum3A_1144 = vector.shape_cast %reduce_sum3A_1143 : vector<1xf32> to vector<1x1x1xf32>
    %reduce_sum3A_1145 = vector.extract %reduce_sum3A_1144[0, 0, 0] : f32 from vector<1x1x1xf32>
    %add3A_1146 = arith.addf %add3A_1091, %reduce_sum3A_1145 : f32
    %slice3A_1147 = vector.extract_strided_slice %convert_element_type3A_304 {offsets = [0, 1920], sizes = [1, 128], strides = [1, 1]} : vector<1x2048xf32> to vector<1x128xf32>
    %slice3A_1148 = vector.extract_strided_slice %convert_element_type3A_306 {offsets = [0, 1920], sizes = [1, 128], strides = [1, 1]} : vector<1x2048xf32> to vector<1x128xf32>
    %dot_general3A_1149 = arith.constant dense<0.000000e+00> : vector<1x128xf32>
    %dot_general3A_1150 = tpu.matmul %slice3A_1147, %convert_element_type3A_312, %dot_general3A_1149 {dimension_numbers = #tpu.dot_dimension_numbers<[1], [0], [0], [1], [0, 0, 1, 1], [], []>, transpose_lhs_hint = false} : vector<1x128xf32>, vector<128x128xf32>, vector<1x128xf32> -> vector<1x128xf32>
    %add3A_1151 = vector.broadcast %add3A_1140 : f32 to vector<1x128xf32>
    %add3A_1152 = arith.addf %dot_general3A_1150, %add3A_1151 : vector<1x128xf32>
    %dot_general3A_1153 = arith.constant dense<0.000000e+00> : vector<1x128xf32>
    %dot_general3A_1154 = tpu.matmul %slice3A_1148, %convert_element_type3A_312, %dot_general3A_1153 {dimension_numbers = #tpu.dot_dimension_numbers<[1], [0], [0], [1], [0, 0, 1, 1], [], []>, transpose_lhs_hint = false} : vector<1x128xf32>, vector<128x128xf32>, vector<1x128xf32> -> vector<1x128xf32>
    %add3A_1155 = vector.broadcast %add3A_1146 : f32 to vector<1x128xf32>
    %add3A_1156 = arith.addf %dot_general3A_1154, %add3A_1155 : vector<1x128xf32>
    %slice3A_1157 = vector.extract_strided_slice %and3A_297 {offsets = [0, 1920], sizes = [1, 128], strides = [1, 1]} : vector<1x2048xi1> to vector<1x128xi1>
    %sub3A_1158 = arith.constant 1.000000e+00 : f32
    %sub3A_1159 = vector.broadcast %sub3A_1158 : f32 to vector<1x128xf32>
    %sub3A_1160 = arith.subf %add3A_1152, %sub3A_1159 : vector<1x128xf32>
    %add3A_1161 = vector.broadcast %reduce_sum3A_310 : f32 to vector<1x128xf32>
    %add3A_1162 = arith.addf %add3A_1161, %add3A_1156 : vector<1x128xf32>
    %sub3A_1163 = arith.constant 1.000000e+00 : f32
    %sub3A_1164 = vector.broadcast %sub3A_1163 : f32 to vector<1x128xf32>
    %sub3A_1165 = arith.subf %add3A_1162, %sub3A_1164 : vector<1x128xf32>
    %select_n3A_1166 = arith.select %slice3A_1157, %sub3A_1160, %sub3A_1165 : vector<1x128xi1>, vector<1x128xf32>
    %slice3A_1167 = vector.extract_strided_slice %lt3A_293 {offsets = [0, 1920], sizes = [1, 128], strides = [1, 1]} : vector<1x2048xi1> to vector<1x128xi1>
    %jit3A_1168 = arith.constant 1.000000e+06 : f32
    %broadcast_in_dim3A_1169 = vector.broadcast %jit3A_1168 : f32 to vector<1x128xf32>
    %select_n3A_1170 = arith.select %slice3A_1167, %select_n3A_1166, %broadcast_in_dim3A_1169 : vector<1x128xi1>, vector<1x128xf32>
    %eq3A_1171 = vector.broadcast %select_n3A_1170 : vector<1x128xf32> to vector<128x128xf32>
    %eq3A_1172 = vector.broadcast %convert_element_type3A_314 : vector<128x1xf32> to vector<128x128xf32>
    %eq3A_1173 = arith.cmpf oeq, %eq3A_1171, %eq3A_1172 : vector<128x128xf32>
    %convert_element_type3A_1174 = arith.extui %eq3A_1173 : vector<128x128xi1> to vector<128x128xi32>
    %convert_element_type3A_1175 = arith.sitofp %convert_element_type3A_1174 : vector<128x128xi32> to vector<128x128xf32>
    %slice3A_1176 = vector.extract_strided_slice %get3A_1 {offsets = [1920, 0], sizes = [128, 8], strides = [1, 1]} : vector<2048x8xf32> to vector<128x8xf32>
    %dot_general3A_1177 = arith.constant dense<0.000000e+00> : vector<128x8xf32>
    %dot_general3A_1178 = tpu.matmul %convert_element_type3A_1175, %slice3A_1176, %dot_general3A_1177 {dimension_numbers = #tpu.dot_dimension_numbers<[1], [0], [0], [1], [0, 0, 1, 1], [], []>, transpose_lhs_hint = false} : vector<128x128xf32>, vector<128x8xf32>, vector<128x8xf32> -> vector<128x8xf32>
    %add3A_1179 = arith.addf %add3A_1124, %dot_general3A_1178 : vector<128x8xf32>
    %slice3A_1180 = vector.extract_strided_slice %select_n3A_302 {offsets = [0, 1920], sizes = [1, 128], strides = [1, 1]} : vector<1x2048xf32> to vector<1x128xf32>
    %jit3A_1181 = arith.constant 0.000000e+00 : f32
    %broadcast_in_dim3A_1182 = vector.shape_cast %slice3A_1180 : vector<1x128xf32> to vector<1x128xf32>
    %broadcast_in_dim3A_1183 = vector.broadcast %broadcast_in_dim3A_1182 : vector<1x128xf32> to vector<128x128xf32>
    %broadcast_in_dim3A_1184 = vector.broadcast %jit3A_1181 : f32 to vector<128x128xf32>
    %select_n3A_1185 = arith.select %eq3A_1173, %broadcast_in_dim3A_1183, %broadcast_in_dim3A_1184 : vector<128x128xi1>, vector<128x128xf32>
    %reduce_sum3A_1186 = arith.constant dense<0.000000e+00> : vector<128xf32>
    %reduce_sum3A_1187 = vector.multi_reduction <add>, %select_n3A_1185, %reduce_sum3A_1186 [1] : vector<128x128xf32> to vector<128xf32>
    %broadcast_in_dim3A_1188 = vector.shape_cast %reduce_sum3A_1187 : vector<128xf32> to vector<128x1xf32>
    %add3A_1189 = arith.addf %add3A_1134, %broadcast_in_dim3A_1188 : vector<128x1xf32>
    %iota3A_1190 = tpu.iota {dimensions = array<i32: 1>} : vector<128x8xi32>
    %eq3A_1191 = arith.constant 4 : i32
    %eq3A_1192 = vector.broadcast %eq3A_1191 : i32 to vector<128x8xi32>
    %eq3A_1193 = arith.cmpi eq, %iota3A_1190, %eq3A_1192 : vector<128x8xi32>
    %broadcast_in_dim3A_1194 = vector.shape_cast %add3A_1189 : vector<128x1xf32> to vector<128x1xf32>
    %broadcast_in_dim3A_1195 = vector.broadcast %broadcast_in_dim3A_1194 : vector<128x1xf32> to vector<128x8xf32>
    %select_n3A_1196 = arith.select %eq3A_1193, %broadcast_in_dim3A_1195, %add3A_1179 : vector<128x8xi1>, vector<128x8xf32>
    %swap3A_1197 = arith.constant 0 : index
    %swap3A_1198 = arith.constant 0 : index
    %swap3A_1199 = vector.load %arg3[%swap3A_1197, %swap3A_1198] : memref<128x8xf32, #tpu.memory_space<vmem>>, vector<128x8xf32>
    tpu.vector_store %arg3[%swap3A_1197, %swap3A_1198], %select_n3A_1196 {strides = array<i32>} : memref<128x8xf32, #tpu.memory_space<vmem>>, vector<128x8xf32>,
    return
  }
}

</mosaic_0001>

<sc_bundles>
// kernel: gather_offload_async_start
scs
__scs_entry_jumppad:
0x0: {  	(pc) =	sbr.rel $0x88, $3  }
0x1: {  	(tag) =	ssettag $0x0;
	lr =	simm.s32 $0x1  }
0x2: {  	[smem:$0x3F9F] =	sst lr;
	_ =	strace $0xD0000000  }
0x3: {  	_ = 	snop  }
0x4: {  	_ = 	snop  }
0x5: {  	_ = 	snop  }
0x6: {  	_ = 	snop  }
0x7: {  	_ = 	snop  }
__scs_overlays_trampoline_lowered:
0x8: {  	[smem:$0x3FAE] =	sst s0  }
0x9: {  	[smem:$0x3FAF] =	sst s1  }
0xa: {  	[smem:$0x3FB0] =	sst s2  }
0xb: {  	[smem:$0x3FB1] =	sst s3  }
0xc: {  	[smem:$0x3FB2] =	sst s4  }
0xd: {  	[smem:$0x3FB3] =	sst s5  }
0xe: {  	[smem:$0x3FB4] =	sst s6  }
0xf: {  	[smem:$0x3FB5] =	sst s7  }
0x10: {  	[smem:$0x3FB6] =	sst s8  }
0x11: {  	[smem:$0x3FB7] =	sst s9;
	s0 =	simm.s32 @!p0 $0x0  }
0x12: {  	s1 =	sld [smem:$0x3F9D];
	s0 =	simm.s32 @p0 $0x1  }
0x13: {  	[smem:$0x3FB8] =	sst s0;
	s0 =	simm.s32 @!p1 $0x0  }
0x14: {  	s2 =	sld [smem:$0x3F9C];
	s0 =	simm.s32 @p1 $0x1  }
0x15: {  	[smem:$0x3FB9] =	sst s0;
	s0 =	simm.s32 @!p2 $0x0  }
0x16: {  	s3 =	sld [smem:$0x3FDB];
	s0 =	simm.s32 @p2 $0x1  }
0x17: {  	s4 =	simm.s32 $0x1BF5;
	[smem:$0x3FBB] =	sst s0  }
0x18: {  	s0 =	sld [smem:$0x3F9E];
	_ =	swait.ge [sflag:s4], $0x0  }
0x19: {  	s7 =	sld [smem:$0x3F9F]  }
0x1a: {  	s8 =	sadd.s32 $0xFFFFE003, lr  }
0x1b: {  	s9 =	sadd.s32 $0xFFFFFEF7, lr;
	s5 =	simm.s32 $0xFFFFFFFF;
	p2 =	slt.u32 s8, $0xFFFFF086  }
0x1c: {  	p1 =	slt.u32 s9, $0xF7A;
	s5 =	simm.s32 @!p2 $0x0  }
0x1d: {  	s5 =	simm.s32 @p1 $0x1;
	p0 =	seq.s32 s7, s2  }
0x1e: {  	s7 =	smul.u32 @!p0 $0xF7A, s2;
	p2 =	seq.s32 @!p0 s5, $0x0  }
0x1f: {  	s9 =	smul.u32 $0xF7A, s1;
	s8 =	simm.s32 @!p0 $0x1BF5;
	p2 =	por !p2, p0  }
0x20: {  	[sflag:s8] =	ssyncset.s32 @!p0 $0xFFFFF086;
	s6 =	sadd.s32 @!p0 s3, s7;
	s7 =	simm.s32 @!p0 $0x108  }
0x21: {  	s3 =	sadd.s32 s3, s9;
	s6 =	sadd.s32 @!p0 $0x88, s6;
	s7 =	simm.s32 @p2 $0x1082  }
0x22: {  	[simem:s7], [sflag:s8] =	dma.local @!p0 [hbm:s6], $0xF7A  }
0x23: {  	s9 =	sor.u32 $0xD0000000, s2;
	s6 =	simm.s32 $0x108;
	_ =	swait.ge @!p0 [sflag:s8], $0x0  }
0x24: {  	s3 =	sadd.s32 $0x88, s3;
	s6 =	simm.s32 @!p1 $0x1082;
	[sflag:s4] =	ssyncset.s32 $0xFFFFF086  }
0x25: {  	[simem:s6], [sflag:s4] =	dma.local [hbm:s3], $0xF7A  }
0x26: {  	[smem:$0x3F9F] =	sst s1;
	(tag) =	ssettag s2;
	_ =	strace s9  }
0x27: {  	s1 =	sld [smem:$0x3FAF]  }
0x28: {  	s2 =	sld [smem:$0x3FB0]  }
0x29: {  	s4 =	sld [smem:$0x3FB2]  }
0x2a: {  	p0 =	seq.s32 s5, $0x0;
	s5 =	sld [smem:$0x3FB3]  }
0x2b: {  	s6 =	sld [smem:$0x3FB4]  }
0x2c: {  	s7 =	sld [smem:$0x3FB5]  }
0x2d: {  	s3 =	simm.s32 $0x108;
	s8 =	sld [smem:$0x3FB6]  }
0x2e: {  	s3 =	simm.s32 @!p0 $0x1082;
	s9 =	sld [smem:$0x3FB7]  }
0x2f: {  	lr =	sadd.s32 s0, s3;
	s0 =	sld [smem:$0x3FAE]  }
0x30: {  	s3 =	sld [smem:$0x3FB1]  }
0x31: {  	[smem:$0x3FBA] =	sst s10  }
0x32: {  	s10 =	sld [smem:$0x3FB8];
	_ =	sdelay $0x3  }
0x33: {  	p0 =	seq.s32 s10, $0x1;
	s10 =	sld [smem:$0x3FBA];
	_ =	sdelay $0x3  }
0x34: {  	[smem:$0x3FBA] =	sst s10  }
0x35: {  	s10 =	sld [smem:$0x3FB9];
	_ =	sdelay $0x3  }
0x36: {  	p1 =	seq.s32 s10, $0x1;
	s10 =	sld [smem:$0x3FBA];
	_ =	sdelay $0x3  }
0x37: {  	[smem:$0x3FBA] =	sst s10  }
0x38: {  	s10 =	sld [smem:$0x3FBB]  }
0x39: {  	_ = 	snop;
	(pc) =	sbr.ind lr, $3  }
0x3a: {  	_ = 	snop  }
0x3b: {  	_ = 	snop  }
0x3c: {  	p2 =	seq.s32 s10, $0x1;
	s10 =	sld [smem:$0x3FBA]  }
0x3d: {  	_ =	shalt  }
0x3e: {  	_ =	shalt  }
0x3f: {  	_ =	shalt  }
0x40: {  	_ =	shalt  }
0x41: {  	_ =	shalt  }
0x42: {  	_ =	shalt  }
0x43: {  	_ =	shalt  }
0x44: {  	_ =	shalt  }
0x45: {  	_ =	shalt  }
0x46: {  	_ =	shalt  }
0x47: {  	_ =	shalt  }
0x48: {  	_ =	shalt  }
0x49: {  	_ =	shalt  }
0x4a: {  	_ =	shalt  }
0x4b: {  	_ =	shalt  }
0x4c: {  	_ =	shalt  }
0x4d: {  	_ =	shalt  }
0x4e: {  	_ =	shalt  }
0x4f: {  	_ =	shalt  }
0x50: {  	_ =	shalt  }
0x51: {  	_ =	shalt  }
0x52: {  	_ =	shalt  }
0x53: {  	_ =	shalt  }
0x54: {  	_ =	shalt  }
0x55: {  	_ =	shalt  }
0x56: {  	_ =	shalt  }
0x57: {  	_ =	shalt  }
0x58: {  	_ =	shalt  }
0x59: {  	_ =	shalt  }
0x5a: {  	_ =	shalt  }
0x5b: {  	_ =	shalt  }
0x5c: {  	_ =	shalt  }
0x5d: {  	_ =	shalt  }
0x5e: {  	_ =	shalt  }
0x5f: {  	_ =	shalt  }
0x60: {  	_ =	shalt  }
0x61: {  	_ =	shalt  }
0x62: {  	_ =	shalt  }
0x63: {  	_ =	shalt  }
0x64: {  	_ =	shalt  }
0x65: {  	_ =	shalt  }
0x66: {  	_ =	shalt  }
0x67: {  	_ =	shalt  }
0x68: {  	_ =	shalt  }
0x69: {  	_ =	shalt  }
0x6a: {  	_ =	shalt  }
0x6b: {  	_ =	shalt  }
0x6c: {  	_ =	shalt  }
0x6d: {  	_ =	shalt  }
0x6e: {  	_ =	shalt  }
0x6f: {  	_ =	shalt  }
0x70: {  	_ =	shalt  }
0x71: {  	_ =	shalt  }
0x72: {  	_ =	shalt  }
0x73: {  	_ =	shalt  }
0x74: {  	_ =	shalt  }
0x75: {  	_ =	shalt  }
0x76: {  	_ =	shalt  }
0x77: {  	_ =	shalt  }
0x78: {  	_ =	shalt  }
0x79: {  	_ =	shalt  }
0x7a: {  	_ =	shalt  }
0x7b: {  	_ =	shalt  }
0x7c: {  	_ =	shalt  }
0x7d: {  	_ =	shalt  }
0x7e: {  	_ =	shalt  }
0x7f: {  	_ =	shalt  }
0x80: {  	_ =	shalt  }
0x81: {  	_ =	shalt  }
0x82: {  	_ =	shalt  }
0x83: {  	_ =	shalt  }
0x84: {  	_ =	shalt  }
0x85: {  	_ =	shalt  }
0x86: {  	_ =	shalt  }
0x87: {  	_ =	shalt  }
.Lfunc_end0:
.L_simem_size_0:
called_computation_lowered:
.L_overlay_start_0:
0x88: {  	s0 =	sld [smem:$0x3FD9]  }
0x89: {  	s1 =	sld [smem:$0x3FFE];
	_ =	sdelay $0x3  }
0x8a: {  	s0 =	sadd.s32 s1, s0  }
0x8b: {  	[smem:$0x3FC6] =	sst s0  }
0x8c: {  	_ = 	snop  }
0x8d: {  	(tm) =	ssettm $0x1  }
0x8e: {  	s15 =	sld [smem:$0x3FFB];
	_ =	sdelay $0x3  }
0x8f: {  	_ =	strace s15  }
0x90: {  	s0 =	sld [smem:$0x3FFC];
	_ =	sdelay $0x3  }
0x91: {  	_ =	strace s0  }
0x92: {  	s0 =	sld [smem:$0x3FFD];
	_ =	sdelay $0x3  }
0x93: {  	_ =	strace s0  }
0x94: {  	_ =	strace $0x8FFFFFFF  }
0x95: {  	s16 =	sld [smem:$0x3FDB];
	_ =	sdelay $0x1  }
0x96: {  	s17 =	simm.s32 $_scs_section_size  }
0x97: {  	s2 =	simm.s32 $_size__tile_overlayer_lowered;
	s3 =	simm.s32 $_tile_overlayer_lowered  }
0x98: {  	s20 =	simm.s32 $0x1BFF;
	s19 =	sshll.u32 s3, $0x1;
	s0 =	sadd.s32 s17, s16  }
0x99: {  	s4 =	simm.s32 $0x0;
	s18 =	sshll.u32 s2, $0x1;
	s2 =	sadd.s32 s19, s0  }
0x9a: {  	[timem:s4], [sflag:s20] =	dma.local [hbm:s2], s18  }
0x9b: {  	_ =	swait.ge [sflag:s20], s18  }
0x9c: {  	s1 =	ssub.s32 $0x0, s18;
	[sflag:s20] =	ssyncset.done $0x0  }
0x9d: {  	[sflag:s20] =	ssyncadd.s32 s1;
	_ =	sdelay $0x1  }
0x9e: {  	s21 =	simm.s32 $0x1B8B  }
0x9f: {  	_ =	swait.ge [sflag:s21], $0x1  }
0xa0: {  	[sflag:s21] =	ssyncset.done $0x0  }
0xa1: {  	s23 =	simm.s32 $0x1B8E;
	s22 =	sld [smem:$0x3FFE];
	[sflag:s21] =	ssyncadd.s32 $0xFFFFFFFF  }
0xa2: {  	s24 =	simm.s32 $execute0_lowered;
	[smem:$0x3FD2] =	sst s23  }
0xa3: {  	s2 =	sshll.u32 s24, $0x1;
	_ =	strace $0x80000046;
	[dreg:$0x1] =	wrdreg $0xFFFFFFFF  }
0xa4: {  	s25 =	simm.s32 $_size_execute0_lowered;
	s0 =	sadd.s32 s0, s2;
	[dreg:$0x0] =	wrdreg $0x0  }
0xa5: {  	s2 =	sshll.u32 s25, $0x1;
	[dreg:$0x2] =	wrdreg s0  }
0xa6: {  	[dreg:$0x3] =	wrdreg s2  }
0xa7: {  	[dreg:$0x4] =	wrdreg $0xC0  }
0xa8: {  	_ =	task [dreg:s4], $0x5FFFF  }
0xa9: {  	[dreg:$0x1] =	wrdreg $0xFFFFFFFF  }
0xaa: {  	[dreg:$0x0] =	wrdreg $0x60  }
0xab: {  	[dreg:$0x2] =	wrdreg s22  }
0xac: {  	[dreg:$0x3] =	wrdreg $0x9  }
0xad: {  	_ =	task.clear_ibuf [dreg:s4], $0x4FFFF;
	_ =	strace $0x90000046  }
0xae: {  	s26 =	simm.s32 $0x9;
	_ =	strace $0x80000048  }
0xaf: {  	_ =	swait.ge [sflag:s26], $0x1  }
0xb0: {  	[sflag:s26] =	ssyncadd.s32 $0xFFFFFFFF  }
0xb1: {  	_ =	strace $0x90000048  }
0xb2: {  	_ =	sfence  }
0xb3: {  	s28 =	sld [smem:$0x0];
	_ =	sdelay $0x1  }
0xb4: {  	s29 =	srdreg.scid  }
0xb5: {  	s30 =	sshll.u32 s29, $0xD;
	s31 =	sshrl.u32 s29, $0x2  }
0xb6: {  	s1 =	sand.u32 $0x1, s29;
	s2 =	sand.u32 $0x4000, s30;
	s0 =	sadd.s32 s31, s28  }
0xb7: {  	s1 =	sor.u32 s2, s1;
	s0 =	sshll.u32 s0, $0x11  }
0xb8: {  	s0 =	sor.u32 s0, s1  }
0xb9: {  	s0 =	sadd.s32 $0x8F2B, s0  }
0xba: {  	[sflag:s0] =	ssyncadd.remote.s32 $0x1  }
0xbb: {  	_ =	sfence.sel $0xFFFF  }
0xbc: {  	[dreg:$0x0] =	wrdreg $0xFFFFFFFF;
	(pc) =	sbr.abs _section_cstart, $3  }
0xbd: {  	[dreg:$0x1] =	wrdreg $0xFFFFFFFF  }
0xbe: {  	_ =	task.clear_ibuf [dreg:s4], $0x2FFFF;
	_ =	strace $0x9FFFFFFF  }
0xbf: {  	(tm) =	ssettm $0x7FFFFFFF  }
tec
execute0_lowered:
.L_overlay_start_1:
0x0: {  	(tag) =	ssettag $0x1  }
0x1: {  	s0 =	stileid.u32  }
0x2: {  	s1 =	smin.u32 s0, $0x9  }
0x3: {  	s1 =	sadd.s32 s0, s1  }
0x4: {  	p0 =	slt.u32 s0, $0x9;
	s2 =	smul.u32 $0x50, s1;
	s1 =	simm.s32 $0xA0  }
0x5: {  	s1 =	simm.s32 @!p0 $0x50  }
0x6: {  	s1 =	sadd.s32 s1, s2  }
0x7: {  	s3 =	smin.u32 s1, $0x7D0  }
0x8: {  	s7 =	ssub.s32 s3, s2  }
0x9: {  	p0 =	sgt.s32 s7, $0x0  }
0xa: {  	s7 =	simm.s32 @!p0 $0x0  }
0xb: {  	s31 =	smul.u32 $0xCCCD, s7  }
0xc: {  	s4 =	rddreg [dreg:$0x0];
	s6 =	simm.s32 $0x1  }
0xd: {  	s10 =	simm.s32 $0x3;
	s13 =	simm.s32 $0x0;
	s8 =	sshrl.u32 s31, $0x16  }
0xe: {  	s12 =	simm.s32 $0x0;
	s5 =	sadd.s32 $0x200, s4;
	s9 =	smul.u32 $0x50, s8  }
.Ltmp0:
0xf: {  	s11 =	smov.u32 s2;
	s1 =	rddreg [dreg:$0x1];
	(pc) =	sbr.rel .LBB2_1-.Ltmp0, $4  }
0x10: {  	_ =	strace $0x80000047;
	p0 =	sne.s32 s7, s9;
	s9 =	simm.s32 $0x1  }
0x11: {  	[sflag:s6] =	ssyncpa.u1 $0x0;
	s7 =	simm.s32 $0x2;
	s9 =	simm.s32 @!p0 $0x0  }
0x12: {  	[sflag:s7] =	ssyncpa.u1 $0x0;
	p0 =	por $0x0, $0x0;
	s8 =	sadd.s32 s8, s9  }
0x13: {  	vm0 =	vmmov $0xff;
	vm1 =	vcmask $0x3F20;
	s9 =	sadd.s32 $0x4E400, s4;
	[sflag:s10] =	ssyncpa.u1 $0x0;
	s10 =	sadd.s32 $0x1, s8  }
.LBB2_6:
0x14: {  	[hbm:s17] =	stream.linear.scatter [tilespmem:s14], [sflag:$0x3], $0x400, $0x38;
	[tilespmem:$0x50A0] =	vst v63  }
.LBB2_7:
0x15: {  	s13 =	sadd.s32 $0x50, s11  }
0x16: {  	s15 =	smov.u32 s2;
	p2 =	slt.s32 s13, s3  }
0x17: {  	s15 =	smov.u32 @p2 s13;
	p2 =	sne.s32 s12, s10  }
.Ltmp1:
0x18: {  	p1 =	slt.u32 s12, $0x2;
	(pc) =	sbr.rel @!p2 .LBB2_8-.Ltmp1, $4  }
0x19: {  	s14 =	simm.s32 @!p1 $0x3  }
0x1a: {  	s16 =	sadd.s32 $0x1, s12;
	_ =	swait.ge @!p1 [sflag:s14], $0x2800  }
0x1b: {  	p0 =	por !p0, !p0;
	s13 =	smov.u32 s11;
	[sflag:s14] =	ssyncset.done @!p1 $0x0  }
0x1c: {  	s12 =	smov.u32 s16;
	s11 =	smov.u32 s15;
	[sflag:s14] =	ssyncadd.s32 @!p1 $0xFFFFD800  }
.LBB2_1:
0x1d: {  	p1 =	sge.u32 s12, s8  }
0x1e: {  	s14 =	sxor.u32 @!p1 $0xFFFFFFFF, s12  }
0x1f: {  	s14 =	sand.u32 @!p1 $0x1, s14  }
0x20: {  	s14 =	smul.u32 @!p1 $0x140, s14  }
0x21: {  	s31 =	sadd.s32 $0xFFFFFFFF, s12;
	s15 =	sshrl.u32 @!p1 s11, $0x3  }
0x22: {  	s16 =	sand.u32 @!p1 $0x7, s11;
	s15 =	sadd.s32 @!p1 s4, s15;
	s14 =	sshrl.u32 @!p1 s14, $0x2  }
0x23: {  	[tilespmem:s14], [sflag:$0x2] =	stream.linear.gather @!p1 [hbm4b:s15+s16], $0x50, $0x38;
	[tilespmem:$0x50A0] =	vst v63  }
0x24: {  	p1 =	sge.u32 s31, s8  }
.Ltmp2:
0x25: {  	_ = 	snop;
	(pc) =	sbr.rel @p1 .LBB2_7-.Ltmp2, $1  }
0x26: {  	_ =	sdelay $0x3  }
0x27: {  	s14 =	simm.s32 $0x1  }
0x28: {  	s14 =	simm.s32 @!p0 $0x0  }
0x29: {  	s15 =	smul.u32 $0x140, s14  }
0x2a: {  	_ =	swait.ge [sflag:s7], $0x50  }
0x2b: {  	[sflag:s7] =	ssyncset.done $0x0;
	s16 =	sshrl.u32 s15, $0x2  }
0x2c: {  	[sflag:s7] =	ssyncadd.s32 $0xFFFFFFB0;
	s15 =	sadd.s32 $0x0, s16  }
0x2d: {  	v0 =	vld.msk [tilespmem:s15+$0x0 ss:$0x1], $0xffff;
	_ =	sdelay $0x4  }
0x2e: {  	vm2 =	vgt.s32 v0, $0x0  }
0x2f: {  	v0 =	vnsel vm2, $0x0, v0  }
0x30: {  	v0 =	vmin.u32 v0, $0x4E1F  }
0x31: {  	v0 =	vshll.u32 v0, $0x4  }
0x32: {  	s14 =	smul.u32 $0xA000, s14;
	_ =	sdelay $0x1  }
0x33: {  	s14 =	sshrl.u32 s14, $0x2  }
0x34: {  	s14 =	sor.u32 $0xA0, s14  }
0x35: {  	[tilespmem:s14], [sflag:$0x1] =	stream.indirect_vreg.gather [hbm:s5], $0x80, v0, vm0, $0x38;
	[tilespmem:$0x50A0] =	vst v63  }
0x36: {  	s17 =	sadd.s32 $0x10, s16;
	s15 =	sadd.s32 $0x400, s14  }
0x37: {  	[tilespmem:s15], [sflag:$0x1] =	stream.indirect_vreg.gather [hbm:s5], $0x80, v0, vm1, $0x38;
	[tilespmem:$0x50A0] =	vst v63  }
0x38: {  	s18 =	simm.s32 $0x80;
	v0 =	vld.msk [tilespmem:s17+$0x0 ss:$0x1], $0xffff;
	s17 =	smov.u32 s14  }
.LBB2_3:
0x39: {  	p1 =	sne.s32 s18, $0x100;
	_ =	sdelay $0x4  }
0x3a: {  	vm2 =	vgt.s32 v0, $0x0  }
0x3b: {  	v0 =	vnsel vm2, $0x0, v0  }
0x3c: {  	v0 =	vmin.u32 v0, $0x4E1F  }
0x3d: {  	v0 =	vshll.u32 v0, $0x4;
	_ =	sdelay $0x3  }
.Ltmp3:
0x3e: {  	s19 =	sshra.s32 s18, $0x2;
	s17 =	sadd.s32 $0x800, s17;
	(pc) =	sbr.rel @p1 .LBB2_3-.Ltmp3, $4  }
0x3f: {  	[tilespmem:s17], [sflag:$0x1] =	stream.indirect_vreg.gather [hbm:s5], $0x80, v0, vm0, $0x38;
	[tilespmem:$0x50A0] =	vst v63  }
0x40: {  	s19 =	sadd.s32 s19, s16;
	s20 =	sadd.s32 $0x400, s17  }
0x41: {  	[tilespmem:s20], [sflag:$0x1] =	stream.indirect_vreg.gather [hbm:s5], $0x80, v0, vm1, $0x38;
	[tilespmem:$0x50A0] =	vst v63  }
0x42: {  	s18 =	sadd.s32 $0x40, s18;
	v0 =	vld.msk [tilespmem:s19+$0x0 ss:$0x1], $0xffff  }
0x43: {  	_ =	sdelay $0x3  }
0x44: {  	vm2 =	vgt.s32 v0, $0x0  }
0x45: {  	v0 =	vnsel vm2, $0x0, v0  }
0x46: {  	v0 =	vmin.u32 v0, $0x4E1F  }
0x47: {  	v0 =	vshll.u32 v0, $0x4;
	_ =	sdelay $0x3  }
0x48: {  	s16 =	sadd.s32 $0x800, s17  }
0x49: {  	[tilespmem:s16], [sflag:$0x1] =	stream.indirect_vreg.gather [hbm:s5], $0x80, v0, vm0, $0x38;
	[tilespmem:$0x50A0] =	vst v63  }
0x4a: {  	s16 =	sadd.s32 $0x400, s16  }
0x4b: {  	[tilespmem:s16], [sflag:$0x1] =	stream.indirect_vreg.gather [hbm:s5], $0x80, v0, vm1, $0x38;
	[tilespmem:$0x50A0] =	vst v63  }
0x4c: {  	s13 =	sshll.u32 s13, $0x4;
	_ =	swait.ge [sflag:s6], $0x2800  }
0x4d: {  	s13 =	sadd.s32 s13, s9;
	[sflag:s6] =	ssyncset.done $0x0  }
0x4e: {  	s17 =	sadd.s32 $0x0, s13;
	s16 =	simm.s32 $0x80;
	[sflag:s6] =	ssyncadd.s32 $0xFFFFD800  }
.LBB2_5:
0x4f: {  	[hbm:s17] =	stream.linear.scatter [tilespmem:s14], [sflag:$0x3], $0x400, $0x38;
	[tilespmem:$0x50A0] =	vst v63  }
0x50: {  	s17 =	smov.u32 s16;
	s14 =	smov.u32 s15;
	p1 =	sne.s32 s16, $0x480  }
.Ltmp4:
0x51: {  	s16 =	sadd.s32 $0x80, s16;
	(pc) =	sbr.rel @p1 .LBB2_5-.Ltmp4, $2  }
0x52: {  	_ =	sdelay $0x2  }
0x53: {  	s15 =	sadd.s32 $0x400, s15;
	s17 =	sadd.s32 s17, s13  }
.Ltmp5:
0x54: {  	_ = 	snop;
	(pc) =	sbr.rel .LBB2_6-.Ltmp5, $1  }
0x55: {  	_ =	sdelay $0x3  }
.LBB2_8:
0x56: {  	_ =	sfence.sel $0x180000  }
0x57: {  	s2 =	simm.s32 $0x2;
	[bflag:$0x0] =	sbarrier.arrive $0xFFFF  }
0x58: {  	s30 =	simm.s32 $0x3;
	[sflag:s2] =	ssyncpa.u1 $0x1  }
0x59: {  	s31 =	simm.s32 $0x1;
	[sflag:s30] =	ssyncpa.u1 $0x1  }
0x5a: {  	[sflag:s31] =	ssyncpa.u1 $0x1  }
0x5b: {  	p0 =	sne.s32 s0, $0x0;
	_ =	strace $0x90000047  }
0x5c: {  	s0 =	sadd.s32 @!p0 $0x100000, s1;
	[bflag:$0x2] =	sbarrier.arrive $0xFFFF  }
0x5d: {  	[sflag:s0] =	ssyncadd.tile.s32 @!p0 $0x1;
	_ =	shalt  }
.Lfunc_end2:
_tile_overlayer_lowered:
.L_overlay_start_2:
0x5e: {  	(tag) =	ssettag $0x2  }
0x5f: {  	s0 =	rddreg [dreg:$0x0];
	s2 =	stileid.u32  }
0x60: {  	s1 =	rddreg [dreg:$0x1];
	p0 =	sne.s32 s2, $0x0  }
0x61: {  	s3 =	rddreg [dreg:$0x2];
	[bflag:$0x3] =	sbarrier.arrive $0xFFFF;
	s2 =	simm.s32 @!p0 $0x1C01  }
0x62: {  	[timem:s3], [sflag:s2] =	dma.local @!p0 [hbm:s0], s1  }
0x63: {  	s0 =	simm.s32 @!p0 $0x1  }
0x64: {  	_ =	swait.ge @!p0 [sflag:s0], s1  }
0x65: {  	s1 =	ssub.s32 @!p0 $0x0, s1;
	[sflag:s0] =	ssyncset.done @!p0 $0x0  }
0x66: {  	[sflag:s0] =	ssyncadd.s32 @!p0 s1  }
0x67: {  	[bflag:$0x3] =	sbarrier.arrive $0xFFFF  }
0x68: {  	_ =	shalt  }

</sc_bundles>
